<compile_context>
chip_gen: v7x
topology: tpu7x:2x2x1
jax: 0.10.2.dev20260603
libtpu: 0.0.44.dev20260713+nightly
codegen_flags: <defaults>
</compile_context>

<pallas_src>
import jax
import jax.numpy as jnp
from jax import lax
from jax.experimental import pallas as pl
from jax.experimental.pallas import tpu as pltpu
from jax.experimental.pallas import tpu_sc as plsc

_B, _S = 16384, 50
_D = 64
_TOTAL = _B * _S
_NC, _NS = 2, 16
_NW = _NC * _NS
_PER_W = _TOTAL // _NW
_BPC = 8
_CHUNK = _BPC * _S
_N_CHUNKS = _PER_W // _CHUNK
_B_PER_W = _B // _NW


def _body(table_hbm, idx_hbm, out_hbm, idx_v, rows_v, sem_g, sem_o):
    wid = lax.axis_index("s") * _NC + lax.axis_index("c")
    base = wid * _PER_W

    pltpu.sync_copy(idx_hbm.at[pl.ds(base, _PER_W)], idx_v)

    def gather_desc(i, b):
        off = pl.multiple_of(i * _CHUNK, _CHUNK)
        return pltpu.make_async_copy(
            table_hbm.at[idx_v.at[pl.ds(off, _CHUNK)]], rows_v.at[b], sem_g.at[b]
        )

    def write_start(i, b):
        wb0 = wid * _B_PER_W
        for k in range(_BPC):
            pltpu.make_async_copy(
                rows_v.at[b, pl.ds(k * _S, _S)],
                out_hbm.at[wb0 + i * _BPC + k],
                sem_o.at[b],
            ).start()

    def write_wait(i, b):
        for k in range(_BPC):
            pltpu.make_async_copy(
                rows_v.at[b, pl.ds(k * _S, _S)],
                out_hbm.at[wid * _B_PER_W + i * _BPC + k],
                sem_o.at[b],
            ).wait()

    gather_desc(0, 0).start()
    gather_desc(1, 1).start()

    def half_step(i, b):
        gather_desc(i, b).wait()
        write_start(i, b)

        @pl.when(i + 2 < _N_CHUNKS)
        def _():
            write_wait(i, b)
            gather_desc(i + 2, b).start()

    def step(j, _):
        half_step(2 * j, 0)
        half_step(2 * j + 1, 1)
        return 0

    lax.fori_loop(0, _N_CHUNKS // 2, step, 0)
    write_wait(_N_CHUNKS - 2, 0)
    write_wait(_N_CHUNKS - 1, 1)


@jax.jit
def _embed(x_flat, table):
    mesh = plsc.VectorSubcoreMesh(
        core_axis_name="c", subcore_axis_name="s",
        num_cores=_NC, num_subcores=_NS,
    )
    fn = pl.kernel(
        _body,
        out_type=jax.ShapeDtypeStruct((_B, _S, _D), jnp.float32),
        mesh=mesh,
        scratch_types=[
            pltpu.VMEM((_PER_W,), jnp.int32),
            pltpu.VMEM((2, _CHUNK, _D), jnp.float32),
            pltpu.SemaphoreType.DMA((2,)),
            pltpu.SemaphoreType.DMA((2,)),
        ],
        compiler_params=pltpu.CompilerParams(use_tc_tiling_on_sc=False),
    )
    return fn(table, x_flat)


def kernel(x, embedding_matrix):
    x_flat = x.reshape(-1).astype(jnp.int32)
    return _embed(x_flat, embedding_matrix)

# --- scband reference (transcript-rebuilt; emitter-appended) ---
"""Pipeline reference for scband-embedding-36438502539800 (READ-ONLY COPY).

The authoritative reference and input builder live on the scoring server;
editing this copy changes nothing except your own understanding.
"""

import jax, jax.numpy as jnp
import numpy as np

NUM_EMBEDDINGS = 1000000
EMBEDDING_DIM = 64

def setup_inputs(seed: int = 0) -> dict:
    key = jax.random.key(seed)
    k1, k2 = jax.random.split(key)
    x = jax.random.randint(k1, (16384, 50), 0, NUM_EMBEDDINGS, dtype=jnp.int64) if jax.config.jax_enable_x64 else jax.random.randint(k1, (16384, 50), 0, NUM_EMBEDDINGS, dtype=jnp.int32)
    # trunc_normal_(mean=0, std=1, a=-3, b=3) approximated via truncated normal
    embedding_matrix = jax.random.truncated_normal(k2, -3.0, 3.0, (NUM_EMBEDDINGS, EMBEDDING_DIM), dtype=jnp.float32)
    return {"x": x, "embedding_matrix": embedding_matrix}

def reference(x, embedding_matrix):
    # Maps token IDs to a vector space of dim embedding_dim (pure gather)
    return jnp.take(embedding_matrix, x, axis=0)

if __name__ == "__main__":
    import jax
    _d = setup_inputs()
    print(jax.jit(kernel)(*tuple(_d.values())))

</pallas_src>

<mosaic_0001>
#map = affine_map<(d0, d1) -> (0, 0)>
#map1 = affine_map<(d0, d1) -> (0)>
#map2 = affine_map<(d0, d1) -> (0, 0, 0)>
module attributes {stable_mosaic.version = 14 : i64} {
  func.func @_body(%arg0: i32, %arg1: i32, %arg2: memref<1000000x64xf32, #tpu.memory_space<hbm>>, %arg3: memref<819200xi32, #tpu.memory_space<hbm>>, %arg4: memref<16384x50x64xf32, #tpu.memory_space<hbm>>, %arg5: memref<25600xi32, #tpu.memory_space<vmem>>, %arg6: memref<2x400x64xf32, #tpu.memory_space<vmem>>, %arg7: memref<2x!tpu.dma_semaphore, #tpu.memory_space<semaphore_mem>>, %arg8: memref<2x!tpu.dma_semaphore, #tpu.memory_space<semaphore_mem>>) attributes {dimension_semantics = [#tpu.dimension_semantics<core_parallel>, #tpu.dimension_semantics<subcore_parallel>], iteration_bounds = array<i64: 2, 16>, scalar_prefetch = 0 : i64, scratch_operands = 4 : i64, tpu.core_type = #tpu.core_type<sc_vector_subcore>, window_params = [{transform_indices = #map}, {transform_indices = #map1}, {transform_indices = #map2}]} {
    %mul3A = arith.constant 2 : i32
    %mul3A_0 = arith.muli %arg1, %mul3A : i32
    %add3A = arith.addi %mul3A_0, %arg0 : i32
    %mul3A_1 = arith.constant 25600 : i32
    %mul3A_2 = arith.muli %add3A, %mul3A_1 : i32
    "tpu.region"() ({
      %run_scoped3A = tpu.sem_alloc : memref<!tpu.dma_semaphore, #tpu.memory_space<semaphore_mem>>
      %dma_start3A_450 = tpu.memref_slice %arg3[%mul3A_2] : memref<819200xi32, #tpu.memory_space<hbm>> -> memref<25600xi32, #tpu.memory_space<hbm>>
      %dma_start3A_451 = tpu.memref_slice %arg3[%mul3A_2] : memref<819200xi32, #tpu.memory_space<hbm>> -> memref<25600xi32, #tpu.memory_space<hbm>>
      tpu.enqueue_dma source(%dma_start3A_451 : memref<25600xi32, #tpu.memory_space<hbm>>) target(%arg5 : memref<25600xi32, #tpu.memory_space<vmem>>) target_semaphore(%run_scoped3A : memref<!tpu.dma_semaphore, #tpu.memory_space<semaphore_mem>>)
      %dma_wait3A_452 = tpu.memref_slice %arg3[%mul3A_2] : memref<819200xi32, #tpu.memory_space<hbm>> -> memref<25600xi32, #tpu.memory_space<hbm>>
      %dma_wait3A_453 = tpu.memref_slice %arg3[%mul3A_2] : memref<819200xi32, #tpu.memory_space<hbm>> -> memref<25600xi32, #tpu.memory_space<hbm>>
      tpu.wait_dma2 semaphore(%run_scoped3A : memref<!tpu.dma_semaphore, #tpu.memory_space<semaphore_mem>>) src(%dma_wait3A_453 : memref<25600xi32, #tpu.memory_space<hbm>>) dst(%arg5 : memref<25600xi32, #tpu.memory_space<vmem>>)
      tpu.yield
    }) : () -> ()
    %multiple_of3A = arith.constant 0 : i32
    %multiple_of3A_3 = tpu.assume_multiple %multiple_of3A, 400 : i32
    %dma_start3A = arith.constant 0 : i32
    %dma_start3A_4 = arith.constant 0 : i32
    %dma_start3A_5 = arith.constant 0 : i32
    %dma_start3A_6 = arith.constant 0 : i32
    %dma_start3A_7 = tpu.memref_slice %arg6[%dma_start3A, %dma_start3A_5, %dma_start3A_6] : memref<2x400x64xf32, #tpu.memory_space<vmem>> -> memref<1x400x64xf32, #tpu.memory_space<vmem>>
    %dma_start3A_8 = tpu.memref_squeeze %dma_start3A_7 : memref<1x400x64xf32, #tpu.memory_space<vmem>> -> memref<400x64xf32, #tpu.memory_space<vmem>>
    %dma_start3A_9 = tpu.memref_slice %arg5[%multiple_of3A_3] : memref<25600xi32, #tpu.memory_space<vmem>> -> memref<400xi32, #tpu.memory_space<vmem>>
    %dma_start3A_10 = arith.constant 0 : i32
    %dma_start3A_11 = arith.constant 0 : i32
    %dma_start3A_12 = tpu.memref_slice %arg2[%dma_start3A_10, %dma_start3A_11] : memref<1000000x64xf32, #tpu.memory_space<hbm>> -> memref<1000000x64xf32, #tpu.memory_space<hbm>>
    %dma_start3A_13 = tpu.memref_slice %arg7[%dma_start3A_4] : memref<2x!tpu.dma_semaphore, #tpu.memory_space<semaphore_mem>> -> memref<1x!tpu.dma_semaphore, #tpu.memory_space<semaphore_mem>>
    %dma_start3A_14 = tpu.memref_squeeze %dma_start3A_13 : memref<1x!tpu.dma_semaphore, #tpu.memory_space<semaphore_mem>> -> memref<!tpu.dma_semaphore, #tpu.memory_space<semaphore_mem>>
    tpu.enqueue_indirect_dma source(%dma_start3A_12 : memref<1000000x64xf32, #tpu.memory_space<hbm>>) target(%dma_start3A_8 : memref<400x64xf32, #tpu.memory_space<vmem>>) offsets(%dma_start3A_9 : memref<400xi32, #tpu.memory_space<vmem>>) semaphore(%dma_start3A_14 : memref<!tpu.dma_semaphore, #tpu.memory_space<semaphore_mem>>)
    %multiple_of3A_15 = arith.constant 400 : i32
    %multiple_of3A_16 = tpu.assume_multiple %multiple_of3A_15, 400 : i32
    %dma_start3A_17 = arith.constant 1 : i32
    %dma_start3A_18 = arith.constant 1 : i32
    %dma_start3A_19 = arith.constant 0 : i32
    %dma_start3A_20 = arith.constant 0 : i32
    %dma_start3A_21 = tpu.memref_slice %arg6[%dma_start3A_17, %dma_start3A_19, %dma_start3A_20] : memref<2x400x64xf32, #tpu.memory_space<vmem>> -> memref<1x400x64xf32, #tpu.memory_space<vmem>>
    %dma_start3A_22 = tpu.memref_squeeze %dma_start3A_21 : memref<1x400x64xf32, #tpu.memory_space<vmem>> -> memref<400x64xf32, #tpu.memory_space<vmem>>
    %dma_start3A_23 = tpu.memref_slice %arg5[%multiple_of3A_16] : memref<25600xi32, #tpu.memory_space<vmem>> -> memref<400xi32, #tpu.memory_space<vmem>>
    %dma_start3A_24 = arith.constant 0 : i32
    %dma_start3A_25 = arith.constant 0 : i32
    %dma_start3A_26 = tpu.memref_slice %arg2[%dma_start3A_24, %dma_start3A_25] : memref<1000000x64xf32, #tpu.memory_space<hbm>> -> memref<1000000x64xf32, #tpu.memory_space<hbm>>
    %dma_start3A_27 = tpu.memref_slice %arg7[%dma_start3A_18] : memref<2x!tpu.dma_semaphore, #tpu.memory_space<semaphore_mem>> -> memref<1x!tpu.dma_semaphore, #tpu.memory_space<semaphore_mem>>
    %dma_start3A_28 = tpu.memref_squeeze %dma_start3A_27 : memref<1x!tpu.dma_semaphore, #tpu.memory_space<semaphore_mem>> -> memref<!tpu.dma_semaphore, #tpu.memory_space<semaphore_mem>>
    tpu.enqueue_indirect_dma source(%dma_start3A_26 : memref<1000000x64xf32, #tpu.memory_space<hbm>>) target(%dma_start3A_22 : memref<400x64xf32, #tpu.memory_space<vmem>>) offsets(%dma_start3A_23 : memref<400xi32, #tpu.memory_space<vmem>>) semaphore(%dma_start3A_28 : memref<!tpu.dma_semaphore, #tpu.memory_space<semaphore_mem>>)
    %scan3A = arith.constant 0 : i32
    %scan3A_29 = arith.constant 0 : i32
    %scan3A_30 = arith.constant 32 : i32
    %scan3A_31 = arith.addi %scan3A_29, %scan3A_30 : i32
    %scan3A_32 = arith.constant 1 : i32
    %scan3A_33 = scf.for %scan3A_450 = %scan3A_29 to %scan3A_31 step %scan3A_32 iter_args(%scan3A_451 = %scan3A) -> (i32)  : i32 {
      %mul3A_452 = arith.constant 2 : i32
      %mul3A_453 = arith.muli %mul3A_452, %scan3A_450 : i32
      %mul3A_454 = arith.constant 400 : i32
      %mul3A_455 = arith.muli %mul3A_453, %mul3A_454 : i32
      %multiple_of3A_456 = tpu.assume_multiple %mul3A_455, 400 : i32
      %dma_wait3A_457 = arith.constant 0 : i32
      %dma_wait3A_458 = arith.constant 0 : i32
      %dma_wait3A_459 = arith.constant 0 : i32
      %dma_wait3A_460 = arith.constant 0 : i32
      %dma_wait3A_461 = tpu.memref_slice %arg6[%dma_wait3A_457, %dma_wait3A_459, %dma_wait3A_460] : memref<2x400x64xf32, #tpu.memory_space<vmem>> -> memref<1x400x64xf32, #tpu.memory_space<vmem>>
      %dma_wait3A_462 = tpu.memref_squeeze %dma_wait3A_461 : memref<1x400x64xf32, #tpu.memory_space<vmem>> -> memref<400x64xf32, #tpu.memory_space<vmem>>
      %dma_wait3A_463 = tpu.memref_slice %arg5[%multiple_of3A_456] : memref<25600xi32, #tpu.memory_space<vmem>> -> memref<400xi32, #tpu.memory_space<vmem>>
      %dma_wait3A_464 = arith.constant 0 : i32
      %dma_wait3A_465 = arith.constant 0 : i32
      %dma_wait3A_466 = tpu.memref_slice %arg2[%dma_wait3A_464, %dma_wait3A_465] : memref<1000000x64xf32, #tpu.memory_space<hbm>> -> memref<1000000x64xf32, #tpu.memory_space<hbm>>
      %dma_wait3A_467 = tpu.memref_slice %arg7[%dma_wait3A_458] : memref<2x!tpu.dma_semaphore, #tpu.memory_space<semaphore_mem>> -> memref<1x!tpu.dma_semaphore, #tpu.memory_space<semaphore_mem>>
      %dma_wait3A_468 = tpu.memref_squeeze %dma_wait3A_467 : memref<1x!tpu.dma_semaphore, #tpu.memory_space<semaphore_mem>> -> memref<!tpu.dma_semaphore, #tpu.memory_space<semaphore_mem>>
      tpu.wait_indirect_dma semaphore(%dma_wait3A_468 : memref<!tpu.dma_semaphore, #tpu.memory_space<semaphore_mem>>) src(%dma_wait3A_466 : memref<1000000x64xf32, #tpu.memory_space<hbm>>) dst(%dma_wait3A_462 : memref<400x64xf32, #tpu.memory_space<vmem>>)
      %mul3A_469 = arith.constant 512 : i32
      %mul3A_470 = arith.muli %add3A, %mul3A_469 : i32
      %mul3A_471 = arith.constant 8 : i32
      %mul3A_472 = arith.muli %mul3A_453, %mul3A_471 : i32
      %add3A_473 = arith.addi %mul3A_470, %mul3A_472 : i32
      %add3A_474 = arith.constant 0 : i32
      %add3A_475 = arith.addi %add3A_473, %add3A_474 : i32
      %dma_start3A_476 = arith.constant 0 : i32
      %dma_start3A_477 = arith.constant 0 : i32
      %dma_start3A_478 = arith.constant 0 : i32
      %dma_start3A_479 = arith.constant 0 : i32
      %dma_start3A_480 = tpu.memref_slice %arg6[%dma_start3A_476, %dma_start3A_478, %dma_start3A_479] : memref<2x400x64xf32, #tpu.memory_space<vmem>> -> memref<1x50x64xf32, #tpu.memory_space<vmem>>
      %dma_start3A_481 = tpu.memref_squeeze %dma_start3A_480 : memref<1x50x64xf32, #tpu.memory_space<vmem>> -> memref<50x64xf32, #tpu.memory_space<vmem>>
      %dma_start3A_482 = arith.constant 0 : i32
      %dma_start3A_483 = arith.constant 0 : i32
      %dma_start3A_484 = tpu.memref_slice %arg4[%add3A_475, %dma_start3A_482, %dma_start3A_483] : memref<16384x50x64xf32, #tpu.memory_space<hbm>> -> memref<1x50x64xf32, #tpu.memory_space<hbm>>
      %dma_start3A_485 = tpu.memref_squeeze %dma_start3A_484 : memref<1x50x64xf32, #tpu.memory_space<hbm>> -> memref<50x64xf32, #tpu.memory_space<hbm>>
      %dma_start3A_486 = tpu.memref_slice %arg8[%dma_start3A_477] : memref<2x!tpu.dma_semaphore, #tpu.memory_space<semaphore_mem>> -> memref<1x!tpu.dma_semaphore, #tpu.memory_space<semaphore_mem>>
      %dma_start3A_487 = tpu.memref_squeeze %dma_start3A_486 : memref<1x!tpu.dma_semaphore, #tpu.memory_space<semaphore_mem>> -> memref<!tpu.dma_semaphore, #tpu.memory_space<semaphore_mem>>
      %dma_start3A_488 = arith.constant 0 : i32
      %dma_start3A_489 = arith.constant 0 : i32
      %dma_start3A_490 = tpu.memref_slice %arg4[%add3A_475, %dma_start3A_488, %dma_start3A_489] : memref<16384x50x64xf32, #tpu.memory_space<hbm>> -> memref<1x50x64xf32, #tpu.memory_space<hbm>>
      %dma_start3A_491 = tpu.memref_squeeze %dma_start3A_490 : memref<1x50x64xf32, #tpu.memory_space<hbm>> -> memref<50x64xf32, #tpu.memory_space<hbm>>
      %dma_start3A_492 = arith.constant 0 : i32
      %dma_start3A_493 = arith.constant 0 : i32
      %dma_start3A_494 = tpu.memref_slice %arg6[%dma_start3A_476, %dma_start3A_492, %dma_start3A_493] : memref<2x400x64xf32, #tpu.memory_space<vmem>> -> memref<1x50x64xf32, #tpu.memory_space<vmem>>
      %dma_start3A_495 = tpu.memref_squeeze %dma_start3A_494 : memref<1x50x64xf32, #tpu.memory_space<vmem>> -> memref<50x64xf32, #tpu.memory_space<vmem>>
      tpu.enqueue_dma source(%dma_start3A_495 : memref<50x64xf32, #tpu.memory_space<vmem>>) target(%dma_start3A_491 : memref<50x64xf32, #tpu.memory_space<hbm>>) target_semaphore(%dma_start3A_487 : memref<!tpu.dma_semaphore, #tpu.memory_space<semaphore_mem>>)
      %mul3A_496 = arith.constant 8 : i32
      %mul3A_497 = arith.muli %mul3A_453, %mul3A_496 : i32
      %add3A_498 = arith.addi %mul3A_470, %mul3A_497 : i32
      %add3A_499 = arith.constant 1 : i32
      %add3A_500 = arith.addi %add3A_498, %add3A_499 : i32
      %dma_start3A_501 = arith.constant 0 : i32
      %dma_start3A_502 = arith.constant 0 : i32
      %dma_start3A_503 = arith.constant 50 : i32
      %dma_start3A_504 = arith.constant 0 : i32
      %dma_start3A_505 = tpu.memref_slice %arg6[%dma_start3A_501, %dma_start3A_503, %dma_start3A_504] : memref<2x400x64xf32, #tpu.memory_space<vmem>> -> memref<1x50x64xf32, #tpu.memory_space<vmem>>
      %dma_start3A_506 = tpu.memref_squeeze %dma_start3A_505 : memref<1x50x64xf32, #tpu.memory_space<vmem>> -> memref<50x64xf32, #tpu.memory_space<vmem>>
      %dma_start3A_507 = arith.constant 0 : i32
      %dma_start3A_508 = arith.constant 0 : i32
      %dma_start3A_509 = tpu.memref_slice %arg4[%add3A_500, %dma_start3A_507, %dma_start3A_508] : memref<16384x50x64xf32, #tpu.memory_space<hbm>> -> memref<1x50x64xf32, #tpu.memory_space<hbm>>
      %dma_start3A_510 = tpu.memref_squeeze %dma_start3A_509 : memref<1x50x64xf32, #tpu.memory_space<hbm>> -> memref<50x64xf32, #tpu.memory_space<hbm>>
      %dma_start3A_511 = tpu.memref_slice %arg8[%dma_start3A_502] : memref<2x!tpu.dma_semaphore, #tpu.memory_space<semaphore_mem>> -> memref<1x!tpu.dma_semaphore, #tpu.memory_space<semaphore_mem>>
      %dma_start3A_512 = tpu.memref_squeeze %dma_start3A_511 : memref<1x!tpu.dma_semaphore, #tpu.memory_space<semaphore_mem>> -> memref<!tpu.dma_semaphore, #tpu.memory_space<semaphore_mem>>
      %dma_start3A_513 = arith.constant 0 : i32
      %dma_start3A_514 = arith.constant 0 : i32
      %dma_start3A_515 = tpu.memref_slice %arg4[%add3A_500, %dma_start3A_513, %dma_start3A_514] : memref<16384x50x64xf32, #tpu.memory_space<hbm>> -> memref<1x50x64xf32, #tpu.memory_space<hbm>>
      %dma_start3A_516 = tpu.memref_squeeze %dma_start3A_515 : memref<1x50x64xf32, #tpu.memory_space<hbm>> -> memref<50x64xf32, #tpu.memory_space<hbm>>
      %dma_start3A_517 = arith.constant 50 : i32
      %dma_start3A_518 = arith.constant 0 : i32
      %dma_start3A_519 = tpu.memref_slice %arg6[%dma_start3A_501, %dma_start3A_517, %dma_start3A_518] : memref<2x400x64xf32, #tpu.memory_space<vmem>> -> memref<1x50x64xf32, #tpu.memory_space<vmem>>
      %dma_start3A_520 = tpu.memref_squeeze %dma_start3A_519 : memref<1x50x64xf32, #tpu.memory_space<vmem>> -> memref<50x64xf32, #tpu.memory_space<vmem>>
      tpu.enqueue_dma source(%dma_start3A_520 : memref<50x64xf32, #tpu.memory_space<vmem>>) target(%dma_start3A_516 : memref<50x64xf32, #tpu.memory_space<hbm>>) target_semaphore(%dma_start3A_512 : memref<!tpu.dma_semaphore, #tpu.memory_space<semaphore_mem>>)
      %mul3A_521 = arith.constant 8 : i32
      %mul3A_522 = arith.muli %mul3A_453, %mul3A_521 : i32
      %add3A_523 = arith.addi %mul3A_470, %mul3A_522 : i32
      %add3A_524 = arith.constant 2 : i32
      %add3A_525 = arith.addi %add3A_523, %add3A_524 : i32
      %dma_start3A_526 = arith.constant 0 : i32
      %dma_start3A_527 = arith.constant 0 : i32
      %dma_start3A_528 = arith.constant 100 : i32
      %dma_start3A_529 = arith.constant 0 : i32
      %dma_start3A_530 = tpu.memref_slice %arg6[%dma_start3A_526, %dma_start3A_528, %dma_start3A_529] : memref<2x400x64xf32, #tpu.memory_space<vmem>> -> memref<1x50x64xf32, #tpu.memory_space<vmem>>
      %dma_start3A_531 = tpu.memref_squeeze %dma_start3A_530 : memref<1x50x64xf32, #tpu.memory_space<vmem>> -> memref<50x64xf32, #tpu.memory_space<vmem>>
      %dma_start3A_532 = arith.constant 0 : i32
      %dma_start3A_533 = arith.constant 0 : i32
      %dma_start3A_534 = tpu.memref_slice %arg4[%add3A_525, %dma_start3A_532, %dma_start3A_533] : memref<16384x50x64xf32, #tpu.memory_space<hbm>> -> memref<1x50x64xf32, #tpu.memory_space<hbm>>
      %dma_start3A_535 = tpu.memref_squeeze %dma_start3A_534 : memref<1x50x64xf32, #tpu.memory_space<hbm>> -> memref<50x64xf32, #tpu.memory_space<hbm>>
      %dma_start3A_536 = tpu.memref_slice %arg8[%dma_start3A_527] : memref<2x!tpu.dma_semaphore, #tpu.memory_space<semaphore_mem>> -> memref<1x!tpu.dma_semaphore, #tpu.memory_space<semaphore_mem>>
      %dma_start3A_537 = tpu.memref_squeeze %dma_start3A_536 : memref<1x!tpu.dma_semaphore, #tpu.memory_space<semaphore_mem>> -> memref<!tpu.dma_semaphore, #tpu.memory_space<semaphore_mem>>
      %dma_start3A_538 = arith.constant 0 : i32
      %dma_start3A_539 = arith.constant 0 : i32
      %dma_start3A_540 = tpu.memref_slice %arg4[%add3A_525, %dma_start3A_538, %dma_start3A_539] : memref<16384x50x64xf32, #tpu.memory_space<hbm>> -> memref<1x50x64xf32, #tpu.memory_space<hbm>>
      %dma_start3A_541 = tpu.memref_squeeze %dma_start3A_540 : memref<1x50x64xf32, #tpu.memory_space<hbm>> -> memref<50x64xf32, #tpu.memory_space<hbm>>
      %dma_start3A_542 = arith.constant 100 : i32
      %dma_start3A_543 = arith.constant 0 : i32
      %dma_start3A_544 = tpu.memref_slice %arg6[%dma_start3A_526, %dma_start3A_542, %dma_start3A_543] : memref<2x400x64xf32, #tpu.memory_space<vmem>> -> memref<1x50x64xf32, #tpu.memory_space<vmem>>
      %dma_start3A_545 = tpu.memref_squeeze %dma_start3A_544 : memref<1x50x64xf32, #tpu.memory_space<vmem>> -> memref<50x64xf32, #tpu.memory_space<vmem>>
      tpu.enqueue_dma source(%dma_start3A_545 : memref<50x64xf32, #tpu.memory_space<vmem>>) target(%dma_start3A_541 : memref<50x64xf32, #tpu.memory_space<hbm>>) target_semaphore(%dma_start3A_537 : memref<!tpu.dma_semaphore, #tpu.memory_space<semaphore_mem>>)
      %mul3A_546 = arith.constant 8 : i32
      %mul3A_547 = arith.muli %mul3A_453, %mul3A_546 : i32
      %add3A_548 = arith.addi %mul3A_470, %mul3A_547 : i32
      %add3A_549 = arith.constant 3 : i32
      %add3A_550 = arith.addi %add3A_548, %add3A_549 : i32
      %dma_start3A_551 = arith.constant 0 : i32
      %dma_start3A_552 = arith.constant 0 : i32
      %dma_start3A_553 = arith.constant 150 : i32
      %dma_start3A_554 = arith.constant 0 : i32
      %dma_start3A_555 = tpu.memref_slice %arg6[%dma_start3A_551, %dma_start3A_553, %dma_start3A_554] : memref<2x400x64xf32, #tpu.memory_space<vmem>> -> memref<1x50x64xf32, #tpu.memory_space<vmem>>
      %dma_start3A_556 = tpu.memref_squeeze %dma_start3A_555 : memref<1x50x64xf32, #tpu.memory_space<vmem>> -> memref<50x64xf32, #tpu.memory_space<vmem>>
      %dma_start3A_557 = arith.constant 0 : i32
      %dma_start3A_558 = arith.constant 0 : i32
      %dma_start3A_559 = tpu.memref_slice %arg4[%add3A_550, %dma_start3A_557, %dma_start3A_558] : memref<16384x50x64xf32, #tpu.memory_space<hbm>> -> memref<1x50x64xf32, #tpu.memory_space<hbm>>
      %dma_start3A_560 = tpu.memref_squeeze %dma_start3A_559 : memref<1x50x64xf32, #tpu.memory_space<hbm>> -> memref<50x64xf32, #tpu.memory_space<hbm>>
      %dma_start3A_561 = tpu.memref_slice %arg8[%dma_start3A_552] : memref<2x!tpu.dma_semaphore, #tpu.memory_space<semaphore_mem>> -> memref<1x!tpu.dma_semaphore, #tpu.memory_space<semaphore_mem>>
      %dma_start3A_562 = tpu.memref_squeeze %dma_start3A_561 : memref<1x!tpu.dma_semaphore, #tpu.memory_space<semaphore_mem>> -> memref<!tpu.dma_semaphore, #tpu.memory_space<semaphore_mem>>
      %dma_start3A_563 = arith.constant 0 : i32
      %dma_start3A_564 = arith.constant 0 : i32
      %dma_start3A_565 = tpu.memref_slice %arg4[%add3A_550, %dma_start3A_563, %dma_start3A_564] : memref<16384x50x64xf32, #tpu.memory_space<hbm>> -> memref<1x50x64xf32, #tpu.memory_space<hbm>>
      %dma_start3A_566 = tpu.memref_squeeze %dma_start3A_565 : memref<1x50x64xf32, #tpu.memory_space<hbm>> -> memref<50x64xf32, #tpu.memory_space<hbm>>
      %dma_start3A_567 = arith.constant 150 : i32
      %dma_start3A_568 = arith.constant 0 : i32
      %dma_start3A_569 = tpu.memref_slice %arg6[%dma_start3A_551, %dma_start3A_567, %dma_start3A_568] : memref<2x400x64xf32, #tpu.memory_space<vmem>> -> memref<1x50x64xf32, #tpu.memory_space<vmem>>
      %dma_start3A_570 = tpu.memref_squeeze %dma_start3A_569 : memref<1x50x64xf32, #tpu.memory_space<vmem>> -> memref<50x64xf32, #tpu.memory_space<vmem>>
      tpu.enqueue_dma source(%dma_start3A_570 : memref<50x64xf32, #tpu.memory_space<vmem>>) target(%dma_start3A_566 : memref<50x64xf32, #tpu.memory_space<hbm>>) target_semaphore(%dma_start3A_562 : memref<!tpu.dma_semaphore, #tpu.memory_space<semaphore_mem>>)
      %mul3A_571 = arith.constant 8 : i32
      %mul3A_572 = arith.muli %mul3A_453, %mul3A_571 : i32
      %add3A_573 = arith.addi %mul3A_470, %mul3A_572 : i32
      %add3A_574 = arith.constant 4 : i32
      %add3A_575 = arith.addi %add3A_573, %add3A_574 : i32
      %dma_start3A_576 = arith.constant 0 : i32
      %dma_start3A_577 = arith.constant 0 : i32
      %dma_start3A_578 = arith.constant 200 : i32
      %dma_start3A_579 = arith.constant 0 : i32
      %dma_start3A_580 = tpu.memref_slice %arg6[%dma_start3A_576, %dma_start3A_578, %dma_start3A_579] : memref<2x400x64xf32, #tpu.memory_space<vmem>> -> memref<1x50x64xf32, #tpu.memory_space<vmem>>
      %dma_start3A_581 = tpu.memref_squeeze %dma_start3A_580 : memref<1x50x64xf32, #tpu.memory_space<vmem>> -> memref<50x64xf32, #tpu.memory_space<vmem>>
      %dma_start3A_582 = arith.constant 0 : i32
      %dma_start3A_583 = arith.constant 0 : i32
      %dma_start3A_584 = tpu.memref_slice %arg4[%add3A_575, %dma_start3A_582, %dma_start3A_583] : memref<16384x50x64xf32, #tpu.memory_space<hbm>> -> memref<1x50x64xf32, #tpu.memory_space<hbm>>
      %dma_start3A_585 = tpu.memref_squeeze %dma_start3A_584 : memref<1x50x64xf32, #tpu.memory_space<hbm>> -> memref<50x64xf32, #tpu.memory_space<hbm>>
      %dma_start3A_586 = tpu.memref_slice %arg8[%dma_start3A_577] : memref<2x!tpu.dma_semaphore, #tpu.memory_space<semaphore_mem>> -> memref<1x!tpu.dma_semaphore, #tpu.memory_space<semaphore_mem>>
      %dma_start3A_587 = tpu.memref_squeeze %dma_start3A_586 : memref<1x!tpu.dma_semaphore, #tpu.memory_space<semaphore_mem>> -> memref<!tpu.dma_semaphore, #tpu.memory_space<semaphore_mem>>
      %dma_start3A_588 = arith.constant 0 : i32
      %dma_start3A_589 = arith.constant 0 : i32
      %dma_start3A_590 = tpu.memref_slice %arg4[%add3A_575, %dma_start3A_588, %dma_start3A_589] : memref<16384x50x64xf32, #tpu.memory_space<hbm>> -> memref<1x50x64xf32, #tpu.memory_space<hbm>>
      %dma_start3A_591 = tpu.memref_squeeze %dma_start3A_590 : memref<1x50x64xf32, #tpu.memory_space<hbm>> -> memref<50x64xf32, #tpu.memory_space<hbm>>
      %dma_start3A_592 = arith.constant 200 : i32
      %dma_start3A_593 = arith.constant 0 : i32
      %dma_start3A_594 = tpu.memref_slice %arg6[%dma_start3A_576, %dma_start3A_592, %dma_start3A_593] : memref<2x400x64xf32, #tpu.memory_space<vmem>> -> memref<1x50x64xf32, #tpu.memory_space<vmem>>
      %dma_start3A_595 = tpu.memref_squeeze %dma_start3A_594 : memref<1x50x64xf32, #tpu.memory_space<vmem>> -> memref<50x64xf32, #tpu.memory_space<vmem>>
      tpu.enqueue_dma source(%dma_start3A_595 : memref<50x64xf32, #tpu.memory_space<vmem>>) target(%dma_start3A_591 : memref<50x64xf32, #tpu.memory_space<hbm>>) target_semaphore(%dma_start3A_587 : memref<!tpu.dma_semaphore, #tpu.memory_space<semaphore_mem>>)
      %mul3A_596 = arith.constant 8 : i32
      %mul3A_597 = arith.muli %mul3A_453, %mul3A_596 : i32
      %add3A_598 = arith.addi %mul3A_470, %mul3A_597 : i32
      %add3A_599 = arith.constant 5 : i32
      %add3A_600 = arith.addi %add3A_598, %add3A_599 : i32
      %dma_start3A_601 = arith.constant 0 : i32
      %dma_start3A_602 = arith.constant 0 : i32
      %dma_start3A_603 = arith.constant 250 : i32
      %dma_start3A_604 = arith.constant 0 : i32
      %dma_start3A_605 = tpu.memref_slice %arg6[%dma_start3A_601, %dma_start3A_603, %dma_start3A_604] : memref<2x400x64xf32, #tpu.memory_space<vmem>> -> memref<1x50x64xf32, #tpu.memory_space<vmem>>
      %dma_start3A_606 = tpu.memref_squeeze %dma_start3A_605 : memref<1x50x64xf32, #tpu.memory_space<vmem>> -> memref<50x64xf32, #tpu.memory_space<vmem>>
      %dma_start3A_607 = arith.constant 0 : i32
      %dma_start3A_608 = arith.constant 0 : i32
      %dma_start3A_609 = tpu.memref_slice %arg4[%add3A_600, %dma_start3A_607, %dma_start3A_608] : memref<16384x50x64xf32, #tpu.memory_space<hbm>> -> memref<1x50x64xf32, #tpu.memory_space<hbm>>
      %dma_start3A_610 = tpu.memref_squeeze %dma_start3A_609 : memref<1x50x64xf32, #tpu.memory_space<hbm>> -> memref<50x64xf32, #tpu.memory_space<hbm>>
      %dma_start3A_611 = tpu.memref_slice %arg8[%dma_start3A_602] : memref<2x!tpu.dma_semaphore, #tpu.memory_space<semaphore_mem>> -> memref<1x!tpu.dma_semaphore, #tpu.memory_space<semaphore_mem>>
      %dma_start3A_612 = tpu.memref_squeeze %dma_start3A_611 : memref<1x!tpu.dma_semaphore, #tpu.memory_space<semaphore_mem>> -> memref<!tpu.dma_semaphore, #tpu.memory_space<semaphore_mem>>
      %dma_start3A_613 = arith.constant 0 : i32
      %dma_start3A_614 = arith.constant 0 : i32
      %dma_start3A_615 = tpu.memref_slice %arg4[%add3A_600, %dma_start3A_613, %dma_start3A_614] : memref<16384x50x64xf32, #tpu.memory_space<hbm>> -> memref<1x50x64xf32, #tpu.memory_space<hbm>>
      %dma_start3A_616 = tpu.memref_squeeze %dma_start3A_615 : memref<1x50x64xf32, #tpu.memory_space<hbm>> -> memref<50x64xf32, #tpu.memory_space<hbm>>
      %dma_start3A_617 = arith.constant 250 : i32
      %dma_start3A_618 = arith.constant 0 : i32
      %dma_start3A_619 = tpu.memref_slice %arg6[%dma_start3A_601, %dma_start3A_617, %dma_start3A_618] : memref<2x400x64xf32, #tpu.memory_space<vmem>> -> memref<1x50x64xf32, #tpu.memory_space<vmem>>
      %dma_start3A_620 = tpu.memref_squeeze %dma_start3A_619 : memref<1x50x64xf32, #tpu.memory_space<vmem>> -> memref<50x64xf32, #tpu.memory_space<vmem>>
      tpu.enqueue_dma source(%dma_start3A_620 : memref<50x64xf32, #tpu.memory_space<vmem>>) target(%dma_start3A_616 : memref<50x64xf32, #tpu.memory_space<hbm>>) target_semaphore(%dma_start3A_612 : memref<!tpu.dma_semaphore, #tpu.memory_space<semaphore_mem>>)
      %mul3A_621 = arith.constant 8 : i32
      %mul3A_622 = arith.muli %mul3A_453, %mul3A_621 : i32
      %add3A_623 = arith.addi %mul3A_470, %mul3A_622 : i32
      %add3A_624 = arith.constant 6 : i32
      %add3A_625 = arith.addi %add3A_623, %add3A_624 : i32
      %dma_start3A_626 = arith.constant 0 : i32
      %dma_start3A_627 = arith.constant 0 : i32
      %dma_start3A_628 = arith.constant 300 : i32
      %dma_start3A_629 = arith.constant 0 : i32
      %dma_start3A_630 = tpu.memref_slice %arg6[%dma_start3A_626, %dma_start3A_628, %dma_start3A_629] : memref<2x400x64xf32, #tpu.memory_space<vmem>> -> memref<1x50x64xf32, #tpu.memory_space<vmem>>
      %dma_start3A_631 = tpu.memref_squeeze %dma_start3A_630 : memref<1x50x64xf32, #tpu.memory_space<vmem>> -> memref<50x64xf32, #tpu.memory_space<vmem>>
      %dma_start3A_632 = arith.constant 0 : i32
      %dma_start3A_633 = arith.constant 0 : i32
      %dma_start3A_634 = tpu.memref_slice %arg4[%add3A_625, %dma_start3A_632, %dma_start3A_633] : memref<16384x50x64xf32, #tpu.memory_space<hbm>> -> memref<1x50x64xf32, #tpu.memory_space<hbm>>
      %dma_start3A_635 = tpu.memref_squeeze %dma_start3A_634 : memref<1x50x64xf32, #tpu.memory_space<hbm>> -> memref<50x64xf32, #tpu.memory_space<hbm>>
      %dma_start3A_636 = tpu.memref_slice %arg8[%dma_start3A_627] : memref<2x!tpu.dma_semaphore, #tpu.memory_space<semaphore_mem>> -> memref<1x!tpu.dma_semaphore, #tpu.memory_space<semaphore_mem>>
      %dma_start3A_637 = tpu.memref_squeeze %dma_start3A_636 : memref<1x!tpu.dma_semaphore, #tpu.memory_space<semaphore_mem>> -> memref<!tpu.dma_semaphore, #tpu.memory_space<semaphore_mem>>
      %dma_start3A_638 = arith.constant 0 : i32
      %dma_start3A_639 = arith.constant 0 : i32
      %dma_start3A_640 = tpu.memref_slice %arg4[%add3A_625, %dma_start3A_638, %dma_start3A_639] : memref<16384x50x64xf32, #tpu.memory_space<hbm>> -> memref<1x50x64xf32, #tpu.memory_space<hbm>>
      %dma_start3A_641 = tpu.memref_squeeze %dma_start3A_640 : memref<1x50x64xf32, #tpu.memory_space<hbm>> -> memref<50x64xf32, #tpu.memory_space<hbm>>
      %dma_start3A_642 = arith.constant 300 : i32
      %dma_start3A_643 = arith.constant 0 : i32
      %dma_start3A_644 = tpu.memref_slice %arg6[%dma_start3A_626, %dma_start3A_642, %dma_start3A_643] : memref<2x400x64xf32, #tpu.memory_space<vmem>> -> memref<1x50x64xf32, #tpu.memory_space<vmem>>
      %dma_start3A_645 = tpu.memref_squeeze %dma_start3A_644 : memref<1x50x64xf32, #tpu.memory_space<vmem>> -> memref<50x64xf32, #tpu.memory_space<vmem>>
      tpu.enqueue_dma source(%dma_start3A_645 : memref<50x64xf32, #tpu.memory_space<vmem>>) target(%dma_start3A_641 : memref<50x64xf32, #tpu.memory_space<hbm>>) target_semaphore(%dma_start3A_637 : memref<!tpu.dma_semaphore, #tpu.memory_space<semaphore_mem>>)
      %mul3A_646 = arith.constant 8 : i32
      %mul3A_647 = arith.muli %mul3A_453, %mul3A_646 : i32
      %add3A_648 = arith.addi %mul3A_470, %mul3A_647 : i32
      %add3A_649 = arith.constant 7 : i32
      %add3A_650 = arith.addi %add3A_648, %add3A_649 : i32
      %dma_start3A_651 = arith.constant 0 : i32
      %dma_start3A_652 = arith.constant 0 : i32
      %dma_start3A_653 = arith.constant 350 : i32
      %dma_start3A_654 = arith.constant 0 : i32
      %dma_start3A_655 = tpu.memref_slice %arg6[%dma_start3A_651, %dma_start3A_653, %dma_start3A_654] : memref<2x400x64xf32, #tpu.memory_space<vmem>> -> memref<1x50x64xf32, #tpu.memory_space<vmem>>
      %dma_start3A_656 = tpu.memref_squeeze %dma_start3A_655 : memref<1x50x64xf32, #tpu.memory_space<vmem>> -> memref<50x64xf32, #tpu.memory_space<vmem>>
      %dma_start3A_657 = arith.constant 0 : i32
      %dma_start3A_658 = arith.constant 0 : i32
      %dma_start3A_659 = tpu.memref_slice %arg4[%add3A_650, %dma_start3A_657, %dma_start3A_658] : memref<16384x50x64xf32, #tpu.memory_space<hbm>> -> memref<1x50x64xf32, #tpu.memory_space<hbm>>
      %dma_start3A_660 = tpu.memref_squeeze %dma_start3A_659 : memref<1x50x64xf32, #tpu.memory_space<hbm>> -> memref<50x64xf32, #tpu.memory_space<hbm>>
      %dma_start3A_661 = tpu.memref_slice %arg8[%dma_start3A_652] : memref<2x!tpu.dma_semaphore, #tpu.memory_space<semaphore_mem>> -> memref<1x!tpu.dma_semaphore, #tpu.memory_space<semaphore_mem>>
      %dma_start3A_662 = tpu.memref_squeeze %dma_start3A_661 : memref<1x!tpu.dma_semaphore, #tpu.memory_space<semaphore_mem>> -> memref<!tpu.dma_semaphore, #tpu.memory_space<semaphore_mem>>
      %dma_start3A_663 = arith.constant 0 : i32
      %dma_start3A_664 = arith.constant 0 : i32
      %dma_start3A_665 = tpu.memref_slice %arg4[%add3A_650, %dma_start3A_663, %dma_start3A_664] : memref<16384x50x64xf32, #tpu.memory_space<hbm>> -> memref<1x50x64xf32, #tpu.memory_space<hbm>>
      %dma_start3A_666 = tpu.memref_squeeze %dma_start3A_665 : memref<1x50x64xf32, #tpu.memory_space<hbm>> -> memref<50x64xf32, #tpu.memory_space<hbm>>
      %dma_start3A_667 = arith.constant 350 : i32
      %dma_start3A_668 = arith.constant 0 : i32
      %dma_start3A_669 = tpu.memref_slice %arg6[%dma_start3A_651, %dma_start3A_667, %dma_start3A_668] : memref<2x400x64xf32, #tpu.memory_space<vmem>> -> memref<1x50x64xf32, #tpu.memory_space<vmem>>
      %dma_start3A_670 = tpu.memref_squeeze %dma_start3A_669 : memref<1x50x64xf32, #tpu.memory_space<vmem>> -> memref<50x64xf32, #tpu.memory_space<vmem>>
      tpu.enqueue_dma source(%dma_start3A_670 : memref<50x64xf32, #tpu.memory_space<vmem>>) target(%dma_start3A_666 : memref<50x64xf32, #tpu.memory_space<hbm>>) target_semaphore(%dma_start3A_662 : memref<!tpu.dma_semaphore, #tpu.memory_space<semaphore_mem>>)
      %add3A_671 = arith.constant 2 : i32
      %add3A_672 = arith.addi %mul3A_453, %add3A_671 : i32
      %lt3A = arith.constant 64 : i32
      %lt3A_673 = arith.cmpi slt, %add3A_672, %lt3A : i32
      %convert_element_type3A = arith.extui %lt3A_673 : i1 to i32
      %cond3A = arith.constant 0 : i32
      %cond3A_674 = arith.cmpi ne, %convert_element_type3A, %cond3A : i32
      scf.if %cond3A_674 {
        %mul3A_904 = arith.constant 512 : i32
        %mul3A_905 = arith.muli %add3A, %mul3A_904 : i32
        %mul3A_906 = arith.constant 8 : i32
        %mul3A_907 = arith.muli %mul3A_453, %mul3A_906 : i32
        %add3A_908 = arith.addi %mul3A_905, %mul3A_907 : i32
        %add3A_909 = arith.constant 0 : i32
        %add3A_910 = arith.addi %add3A_908, %add3A_909 : i32
        %dma_wait3A_911 = arith.constant 0 : i32
        %dma_wait3A_912 = arith.constant 0 : i32
        %dma_wait3A_913 = arith.constant 0 : i32
        %dma_wait3A_914 = arith.constant 0 : i32
        %dma_wait3A_915 = tpu.memref_slice %arg6[%dma_wait3A_911, %dma_wait3A_913, %dma_wait3A_914] : memref<2x400x64xf32, #tpu.memory_space<vmem>> -> memref<1x50x64xf32, #tpu.memory_space<vmem>>
        %dma_wait3A_916 = tpu.memref_squeeze %dma_wait3A_915 : memref<1x50x64xf32, #tpu.memory_space<vmem>> -> memref<50x64xf32, #tpu.memory_space<vmem>>
        %dma_wait3A_917 = arith.constant 0 : i32
        %dma_wait3A_918 = arith.constant 0 : i32
        %dma_wait3A_919 = tpu.memref_slice %arg4[%add3A_910, %dma_wait3A_917, %dma_wait3A_918] : memref<16384x50x64xf32, #tpu.memory_space<hbm>> -> memref<1x50x64xf32, #tpu.memory_space<hbm>>
        %dma_wait3A_920 = tpu.memref_squeeze %dma_wait3A_919 : memref<1x50x64xf32, #tpu.memory_space<hbm>> -> memref<50x64xf32, #tpu.memory_space<hbm>>
        %dma_wait3A_921 = tpu.memref_slice %arg8[%dma_wait3A_912] : memref<2x!tpu.dma_semaphore, #tpu.memory_space<semaphore_mem>> -> memref<1x!tpu.dma_semaphore, #tpu.memory_space<semaphore_mem>>
        %dma_wait3A_922 = tpu.memref_squeeze %dma_wait3A_921 : memref<1x!tpu.dma_semaphore, #tpu.memory_space<semaphore_mem>> -> memref<!tpu.dma_semaphore, #tpu.memory_space<semaphore_mem>>
        %dma_wait3A_923 = arith.constant 0 : i32
        %dma_wait3A_924 = arith.constant 0 : i32
        %dma_wait3A_925 = tpu.memref_slice %arg4[%add3A_910, %dma_wait3A_923, %dma_wait3A_924] : memref<16384x50x64xf32, #tpu.memory_space<hbm>> -> memref<1x50x64xf32, #tpu.memory_space<hbm>>
        %dma_wait3A_926 = tpu.memref_squeeze %dma_wait3A_925 : memref<1x50x64xf32, #tpu.memory_space<hbm>> -> memref<50x64xf32, #tpu.memory_space<hbm>>
        %dma_wait3A_927 = arith.constant 0 : i32
        %dma_wait3A_928 = arith.constant 0 : i32
        %dma_wait3A_929 = tpu.memref_slice %arg6[%dma_wait3A_911, %dma_wait3A_927, %dma_wait3A_928] : memref<2x400x64xf32, #tpu.memory_space<vmem>> -> memref<1x50x64xf32, #tpu.memory_space<vmem>>
        %dma_wait3A_930 = tpu.memref_squeeze %dma_wait3A_929 : memref<1x50x64xf32, #tpu.memory_space<vmem>> -> memref<50x64xf32, #tpu.memory_space<vmem>>
        tpu.wait_dma2 semaphore(%dma_wait3A_922 : memref<!tpu.dma_semaphore, #tpu.memory_space<semaphore_mem>>) src(%dma_wait3A_930 : memref<50x64xf32, #tpu.memory_space<vmem>>) dst(%dma_wait3A_926 : memref<50x64xf32, #tpu.memory_space<hbm>>)
        %mul3A_931 = arith.constant 512 : i32
        %mul3A_932 = arith.muli %add3A, %mul3A_931 : i32
        %mul3A_933 = arith.constant 8 : i32
        %mul3A_934 = arith.muli %mul3A_453, %mul3A_933 : i32
        %add3A_935 = arith.addi %mul3A_932, %mul3A_934 : i32
        %add3A_936 = arith.constant 1 : i32
        %add3A_937 = arith.addi %add3A_935, %add3A_936 : i32
        %dma_wait3A_938 = arith.constant 0 : i32
        %dma_wait3A_939 = arith.constant 0 : i32
        %dma_wait3A_940 = arith.constant 50 : i32
        %dma_wait3A_941 = arith.constant 0 : i32
        %dma_wait3A_942 = tpu.memref_slice %arg6[%dma_wait3A_938, %dma_wait3A_940, %dma_wait3A_941] : memref<2x400x64xf32, #tpu.memory_space<vmem>> -> memref<1x50x64xf32, #tpu.memory_space<vmem>>
        %dma_wait3A_943 = tpu.memref_squeeze %dma_wait3A_942 : memref<1x50x64xf32, #tpu.memory_space<vmem>> -> memref<50x64xf32, #tpu.memory_space<vmem>>
        %dma_wait3A_944 = arith.constant 0 : i32
        %dma_wait3A_945 = arith.constant 0 : i32
        %dma_wait3A_946 = tpu.memref_slice %arg4[%add3A_937, %dma_wait3A_944, %dma_wait3A_945] : memref<16384x50x64xf32, #tpu.memory_space<hbm>> -> memref<1x50x64xf32, #tpu.memory_space<hbm>>
        %dma_wait3A_947 = tpu.memref_squeeze %dma_wait3A_946 : memref<1x50x64xf32, #tpu.memory_space<hbm>> -> memref<50x64xf32, #tpu.memory_space<hbm>>
        %dma_wait3A_948 = tpu.memref_slice %arg8[%dma_wait3A_939] : memref<2x!tpu.dma_semaphore, #tpu.memory_space<semaphore_mem>> -> memref<1x!tpu.dma_semaphore, #tpu.memory_space<semaphore_mem>>
        %dma_wait3A_949 = tpu.memref_squeeze %dma_wait3A_948 : memref<1x!tpu.dma_semaphore, #tpu.memory_space<semaphore_mem>> -> memref<!tpu.dma_semaphore, #tpu.memory_space<semaphore_mem>>
        %dma_wait3A_950 = arith.constant 0 : i32
        %dma_wait3A_951 = arith.constant 0 : i32
        %dma_wait3A_952 = tpu.memref_slice %arg4[%add3A_937, %dma_wait3A_950, %dma_wait3A_951] : memref<16384x50x64xf32, #tpu.memory_space<hbm>> -> memref<1x50x64xf32, #tpu.memory_space<hbm>>
        %dma_wait3A_953 = tpu.memref_squeeze %dma_wait3A_952 : memref<1x50x64xf32, #tpu.memory_space<hbm>> -> memref<50x64xf32, #tpu.memory_space<hbm>>
        %dma_wait3A_954 = arith.constant 50 : i32
        %dma_wait3A_955 = arith.constant 0 : i32
        %dma_wait3A_956 = tpu.memref_slice %arg6[%dma_wait3A_938, %dma_wait3A_954, %dma_wait3A_955] : memref<2x400x64xf32, #tpu.memory_space<vmem>> -> memref<1x50x64xf32, #tpu.memory_space<vmem>>
        %dma_wait3A_957 = tpu.memref_squeeze %dma_wait3A_956 : memref<1x50x64xf32, #tpu.memory_space<vmem>> -> memref<50x64xf32, #tpu.memory_space<vmem>>
        tpu.wait_dma2 semaphore(%dma_wait3A_949 : memref<!tpu.dma_semaphore, #tpu.memory_space<semaphore_mem>>) src(%dma_wait3A_957 : memref<50x64xf32, #tpu.memory_space<vmem>>) dst(%dma_wait3A_953 : memref<50x64xf32, #tpu.memory_space<hbm>>)
        %mul3A_958 = arith.constant 512 : i32
        %mul3A_959 = arith.muli %add3A, %mul3A_958 : i32
        %mul3A_960 = arith.constant 8 : i32
        %mul3A_961 = arith.muli %mul3A_453, %mul3A_960 : i32
        %add3A_962 = arith.addi %mul3A_959, %mul3A_961 : i32
        %add3A_963 = arith.constant 2 : i32
        %add3A_964 = arith.addi %add3A_962, %add3A_963 : i32
        %dma_wait3A_965 = arith.constant 0 : i32
        %dma_wait3A_966 = arith.constant 0 : i32
        %dma_wait3A_967 = arith.constant 100 : i32
        %dma_wait3A_968 = arith.constant 0 : i32
        %dma_wait3A_969 = tpu.memref_slice %arg6[%dma_wait3A_965, %dma_wait3A_967, %dma_wait3A_968] : memref<2x400x64xf32, #tpu.memory_space<vmem>> -> memref<1x50x64xf32, #tpu.memory_space<vmem>>
        %dma_wait3A_970 = tpu.memref_squeeze %dma_wait3A_969 : memref<1x50x64xf32, #tpu.memory_space<vmem>> -> memref<50x64xf32, #tpu.memory_space<vmem>>
        %dma_wait3A_971 = arith.constant 0 : i32
        %dma_wait3A_972 = arith.constant 0 : i32
        %dma_wait3A_973 = tpu.memref_slice %arg4[%add3A_964, %dma_wait3A_971, %dma_wait3A_972] : memref<16384x50x64xf32, #tpu.memory_space<hbm>> -> memref<1x50x64xf32, #tpu.memory_space<hbm>>
        %dma_wait3A_974 = tpu.memref_squeeze %dma_wait3A_973 : memref<1x50x64xf32, #tpu.memory_space<hbm>> -> memref<50x64xf32, #tpu.memory_space<hbm>>
        %dma_wait3A_975 = tpu.memref_slice %arg8[%dma_wait3A_966] : memref<2x!tpu.dma_semaphore, #tpu.memory_space<semaphore_mem>> -> memref<1x!tpu.dma_semaphore, #tpu.memory_space<semaphore_mem>>
        %dma_wait3A_976 = tpu.memref_squeeze %dma_wait3A_975 : memref<1x!tpu.dma_semaphore, #tpu.memory_space<semaphore_mem>> -> memref<!tpu.dma_semaphore, #tpu.memory_space<semaphore_mem>>
        %dma_wait3A_977 = arith.constant 0 : i32
        %dma_wait3A_978 = arith.constant 0 : i32
        %dma_wait3A_979 = tpu.memref_slice %arg4[%add3A_964, %dma_wait3A_977, %dma_wait3A_978] : memref<16384x50x64xf32, #tpu.memory_space<hbm>> -> memref<1x50x64xf32, #tpu.memory_space<hbm>>
        %dma_wait3A_980 = tpu.memref_squeeze %dma_wait3A_979 : memref<1x50x64xf32, #tpu.memory_space<hbm>> -> memref<50x64xf32, #tpu.memory_space<hbm>>
        %dma_wait3A_981 = arith.constant 100 : i32
        %dma_wait3A_982 = arith.constant 0 : i32
        %dma_wait3A_983 = tpu.memref_slice %arg6[%dma_wait3A_965, %dma_wait3A_981, %dma_wait3A_982] : memref<2x400x64xf32, #tpu.memory_space<vmem>> -> memref<1x50x64xf32, #tpu.memory_space<vmem>>
        %dma_wait3A_984 = tpu.memref_squeeze %dma_wait3A_983 : memref<1x50x64xf32, #tpu.memory_space<vmem>> -> memref<50x64xf32, #tpu.memory_space<vmem>>
        tpu.wait_dma2 semaphore(%dma_wait3A_976 : memref<!tpu.dma_semaphore, #tpu.memory_space<semaphore_mem>>) src(%dma_wait3A_984 : memref<50x64xf32, #tpu.memory_space<vmem>>) dst(%dma_wait3A_980 : memref<50x64xf32, #tpu.memory_space<hbm>>)
        %mul3A_985 = arith.constant 512 : i32
        %mul3A_986 = arith.muli %add3A, %mul3A_985 : i32
        %mul3A_987 = arith.constant 8 : i32
        %mul3A_988 = arith.muli %mul3A_453, %mul3A_987 : i32
        %add3A_989 = arith.addi %mul3A_986, %mul3A_988 : i32
        %add3A_990 = arith.constant 3 : i32
        %add3A_991 = arith.addi %add3A_989, %add3A_990 : i32
        %dma_wait3A_992 = arith.constant 0 : i32
        %dma_wait3A_993 = arith.constant 0 : i32
        %dma_wait3A_994 = arith.constant 150 : i32
        %dma_wait3A_995 = arith.constant 0 : i32
        %dma_wait3A_996 = tpu.memref_slice %arg6[%dma_wait3A_992, %dma_wait3A_994, %dma_wait3A_995] : memref<2x400x64xf32, #tpu.memory_space<vmem>> -> memref<1x50x64xf32, #tpu.memory_space<vmem>>
        %dma_wait3A_997 = tpu.memref_squeeze %dma_wait3A_996 : memref<1x50x64xf32, #tpu.memory_space<vmem>> -> memref<50x64xf32, #tpu.memory_space<vmem>>
        %dma_wait3A_998 = arith.constant 0 : i32
        %dma_wait3A_999 = arith.constant 0 : i32
        %dma_wait3A_1000 = tpu.memref_slice %arg4[%add3A_991, %dma_wait3A_998, %dma_wait3A_999] : memref<16384x50x64xf32, #tpu.memory_space<hbm>> -> memref<1x50x64xf32, #tpu.memory_space<hbm>>
        %dma_wait3A_1001 = tpu.memref_squeeze %dma_wait3A_1000 : memref<1x50x64xf32, #tpu.memory_space<hbm>> -> memref<50x64xf32, #tpu.memory_space<hbm>>
        %dma_wait3A_1002 = tpu.memref_slice %arg8[%dma_wait3A_993] : memref<2x!tpu.dma_semaphore, #tpu.memory_space<semaphore_mem>> -> memref<1x!tpu.dma_semaphore, #tpu.memory_space<semaphore_mem>>
        %dma_wait3A_1003 = tpu.memref_squeeze %dma_wait3A_1002 : memref<1x!tpu.dma_semaphore, #tpu.memory_space<semaphore_mem>> -> memref<!tpu.dma_semaphore, #tpu.memory_space<semaphore_mem>>
        %dma_wait3A_1004 = arith.constant 0 : i32
        %dma_wait3A_1005 = arith.constant 0 : i32
        %dma_wait3A_1006 = tpu.memref_slice %arg4[%add3A_991, %dma_wait3A_1004, %dma_wait3A_1005] : memref<16384x50x64xf32, #tpu.memory_space<hbm>> -> memref<1x50x64xf32, #tpu.memory_space<hbm>>
        %dma_wait3A_1007 = tpu.memref_squeeze %dma_wait3A_1006 : memref<1x50x64xf32, #tpu.memory_space<hbm>> -> memref<50x64xf32, #tpu.memory_space<hbm>>
        %dma_wait3A_1008 = arith.constant 150 : i32
        %dma_wait3A_1009 = arith.constant 0 : i32
        %dma_wait3A_1010 = tpu.memref_slice %arg6[%dma_wait3A_992, %dma_wait3A_1008, %dma_wait3A_1009] : memref<2x400x64xf32, #tpu.memory_space<vmem>> -> memref<1x50x64xf32, #tpu.memory_space<vmem>>
        %dma_wait3A_1011 = tpu.memref_squeeze %dma_wait3A_1010 : memref<1x50x64xf32, #tpu.memory_space<vmem>> -> memref<50x64xf32, #tpu.memory_space<vmem>>
        tpu.wait_dma2 semaphore(%dma_wait3A_1003 : memref<!tpu.dma_semaphore, #tpu.memory_space<semaphore_mem>>) src(%dma_wait3A_1011 : memref<50x64xf32, #tpu.memory_space<vmem>>) dst(%dma_wait3A_1007 : memref<50x64xf32, #tpu.memory_space<hbm>>)
        %mul3A_1012 = arith.constant 512 : i32
        %mul3A_1013 = arith.muli %add3A, %mul3A_1012 : i32
        %mul3A_1014 = arith.constant 8 : i32
        %mul3A_1015 = arith.muli %mul3A_453, %mul3A_1014 : i32
        %add3A_1016 = arith.addi %mul3A_1013, %mul3A_1015 : i32
        %add3A_1017 = arith.constant 4 : i32
        %add3A_1018 = arith.addi %add3A_1016, %add3A_1017 : i32
        %dma_wait3A_1019 = arith.constant 0 : i32
        %dma_wait3A_1020 = arith.constant 0 : i32
        %dma_wait3A_1021 = arith.constant 200 : i32
        %dma_wait3A_1022 = arith.constant 0 : i32
        %dma_wait3A_1023 = tpu.memref_slice %arg6[%dma_wait3A_1019, %dma_wait3A_1021, %dma_wait3A_1022] : memref<2x400x64xf32, #tpu.memory_space<vmem>> -> memref<1x50x64xf32, #tpu.memory_space<vmem>>
        %dma_wait3A_1024 = tpu.memref_squeeze %dma_wait3A_1023 : memref<1x50x64xf32, #tpu.memory_space<vmem>> -> memref<50x64xf32, #tpu.memory_space<vmem>>
        %dma_wait3A_1025 = arith.constant 0 : i32
        %dma_wait3A_1026 = arith.constant 0 : i32
        %dma_wait3A_1027 = tpu.memref_slice %arg4[%add3A_1018, %dma_wait3A_1025, %dma_wait3A_1026] : memref<16384x50x64xf32, #tpu.memory_space<hbm>> -> memref<1x50x64xf32, #tpu.memory_space<hbm>>
        %dma_wait3A_1028 = tpu.memref_squeeze %dma_wait3A_1027 : memref<1x50x64xf32, #tpu.memory_space<hbm>> -> memref<50x64xf32, #tpu.memory_space<hbm>>
        %dma_wait3A_1029 = tpu.memref_slice %arg8[%dma_wait3A_1020] : memref<2x!tpu.dma_semaphore, #tpu.memory_space<semaphore_mem>> -> memref<1x!tpu.dma_semaphore, #tpu.memory_space<semaphore_mem>>
        %dma_wait3A_1030 = tpu.memref_squeeze %dma_wait3A_1029 : memref<1x!tpu.dma_semaphore, #tpu.memory_space<semaphore_mem>> -> memref<!tpu.dma_semaphore, #tpu.memory_space<semaphore_mem>>
        %dma_wait3A_1031 = arith.constant 0 : i32
        %dma_wait3A_1032 = arith.constant 0 : i32
        %dma_wait3A_1033 = tpu.memref_slice %arg4[%add3A_1018, %dma_wait3A_1031, %dma_wait3A_1032] : memref<16384x50x64xf32, #tpu.memory_space<hbm>> -> memref<1x50x64xf32, #tpu.memory_space<hbm>>
        %dma_wait3A_1034 = tpu.memref_squeeze %dma_wait3A_1033 : memref<1x50x64xf32, #tpu.memory_space<hbm>> -> memref<50x64xf32, #tpu.memory_space<hbm>>
        %dma_wait3A_1035 = arith.constant 200 : i32
        %dma_wait3A_1036 = arith.constant 0 : i32
        %dma_wait3A_1037 = tpu.memref_slice %arg6[%dma_wait3A_1019, %dma_wait3A_1035, %dma_wait3A_1036] : memref<2x400x64xf32, #tpu.memory_space<vmem>> -> memref<1x50x64xf32, #tpu.memory_space<vmem>>
        %dma_wait3A_1038 = tpu.memref_squeeze %dma_wait3A_1037 : memref<1x50x64xf32, #tpu.memory_space<vmem>> -> memref<50x64xf32, #tpu.memory_space<vmem>>
        tpu.wait_dma2 semaphore(%dma_wait3A_1030 : memref<!tpu.dma_semaphore, #tpu.memory_space<semaphore_mem>>) src(%dma_wait3A_1038 : memref<50x64xf32, #tpu.memory_space<vmem>>) dst(%dma_wait3A_1034 : memref<50x64xf32, #tpu.memory_space<hbm>>)
        %mul3A_1039 = arith.constant 512 : i32
        %mul3A_1040 = arith.muli %add3A, %mul3A_1039 : i32
        %mul3A_1041 = arith.constant 8 : i32
        %mul3A_1042 = arith.muli %mul3A_453, %mul3A_1041 : i32
        %add3A_1043 = arith.addi %mul3A_1040, %mul3A_1042 : i32
        %add3A_1044 = arith.constant 5 : i32
        %add3A_1045 = arith.addi %add3A_1043, %add3A_1044 : i32
        %dma_wait3A_1046 = arith.constant 0 : i32
        %dma_wait3A_1047 = arith.constant 0 : i32
        %dma_wait3A_1048 = arith.constant 250 : i32
        %dma_wait3A_1049 = arith.constant 0 : i32
        %dma_wait3A_1050 = tpu.memref_slice %arg6[%dma_wait3A_1046, %dma_wait3A_1048, %dma_wait3A_1049] : memref<2x400x64xf32, #tpu.memory_space<vmem>> -> memref<1x50x64xf32, #tpu.memory_space<vmem>>
        %dma_wait3A_1051 = tpu.memref_squeeze %dma_wait3A_1050 : memref<1x50x64xf32, #tpu.memory_space<vmem>> -> memref<50x64xf32, #tpu.memory_space<vmem>>
        %dma_wait3A_1052 = arith.constant 0 : i32
        %dma_wait3A_1053 = arith.constant 0 : i32
        %dma_wait3A_1054 = tpu.memref_slice %arg4[%add3A_1045, %dma_wait3A_1052, %dma_wait3A_1053] : memref<16384x50x64xf32, #tpu.memory_space<hbm>> -> memref<1x50x64xf32, #tpu.memory_space<hbm>>
        %dma_wait3A_1055 = tpu.memref_squeeze %dma_wait3A_1054 : memref<1x50x64xf32, #tpu.memory_space<hbm>> -> memref<50x64xf32, #tpu.memory_space<hbm>>
        %dma_wait3A_1056 = tpu.memref_slice %arg8[%dma_wait3A_1047] : memref<2x!tpu.dma_semaphore, #tpu.memory_space<semaphore_mem>> -> memref<1x!tpu.dma_semaphore, #tpu.memory_space<semaphore_mem>>
        %dma_wait3A_1057 = tpu.memref_squeeze %dma_wait3A_1056 : memref<1x!tpu.dma_semaphore, #tpu.memory_space<semaphore_mem>> -> memref<!tpu.dma_semaphore, #tpu.memory_space<semaphore_mem>>
        %dma_wait3A_1058 = arith.constant 0 : i32
        %dma_wait3A_1059 = arith.constant 0 : i32
        %dma_wait3A_1060 = tpu.memref_slice %arg4[%add3A_1045, %dma_wait3A_1058, %dma_wait3A_1059] : memref<16384x50x64xf32, #tpu.memory_space<hbm>> -> memref<1x50x64xf32, #tpu.memory_space<hbm>>
        %dma_wait3A_1061 = tpu.memref_squeeze %dma_wait3A_1060 : memref<1x50x64xf32, #tpu.memory_space<hbm>> -> memref<50x64xf32, #tpu.memory_space<hbm>>
        %dma_wait3A_1062 = arith.constant 250 : i32
        %dma_wait3A_1063 = arith.constant 0 : i32
        %dma_wait3A_1064 = tpu.memref_slice %arg6[%dma_wait3A_1046, %dma_wait3A_1062, %dma_wait3A_1063] : memref<2x400x64xf32, #tpu.memory_space<vmem>> -> memref<1x50x64xf32, #tpu.memory_space<vmem>>
        %dma_wait3A_1065 = tpu.memref_squeeze %dma_wait3A_1064 : memref<1x50x64xf32, #tpu.memory_space<vmem>> -> memref<50x64xf32, #tpu.memory_space<vmem>>
        tpu.wait_dma2 semaphore(%dma_wait3A_1057 : memref<!tpu.dma_semaphore, #tpu.memory_space<semaphore_mem>>) src(%dma_wait3A_1065 : memref<50x64xf32, #tpu.memory_space<vmem>>) dst(%dma_wait3A_1061 : memref<50x64xf32, #tpu.memory_space<hbm>>)
        %mul3A_1066 = arith.constant 512 : i32
        %mul3A_1067 = arith.muli %add3A, %mul3A_1066 : i32
        %mul3A_1068 = arith.constant 8 : i32
        %mul3A_1069 = arith.muli %mul3A_453, %mul3A_1068 : i32
        %add3A_1070 = arith.addi %mul3A_1067, %mul3A_1069 : i32
        %add3A_1071 = arith.constant 6 : i32
        %add3A_1072 = arith.addi %add3A_1070, %add3A_1071 : i32
        %dma_wait3A_1073 = arith.constant 0 : i32
        %dma_wait3A_1074 = arith.constant 0 : i32
        %dma_wait3A_1075 = arith.constant 300 : i32
        %dma_wait3A_1076 = arith.constant 0 : i32
        %dma_wait3A_1077 = tpu.memref_slice %arg6[%dma_wait3A_1073, %dma_wait3A_1075, %dma_wait3A_1076] : memref<2x400x64xf32, #tpu.memory_space<vmem>> -> memref<1x50x64xf32, #tpu.memory_space<vmem>>
        %dma_wait3A_1078 = tpu.memref_squeeze %dma_wait3A_1077 : memref<1x50x64xf32, #tpu.memory_space<vmem>> -> memref<50x64xf32, #tpu.memory_space<vmem>>
        %dma_wait3A_1079 = arith.constant 0 : i32
        %dma_wait3A_1080 = arith.constant 0 : i32
        %dma_wait3A_1081 = tpu.memref_slice %arg4[%add3A_1072, %dma_wait3A_1079, %dma_wait3A_1080] : memref<16384x50x64xf32, #tpu.memory_space<hbm>> -> memref<1x50x64xf32, #tpu.memory_space<hbm>>
        %dma_wait3A_1082 = tpu.memref_squeeze %dma_wait3A_1081 : memref<1x50x64xf32, #tpu.memory_space<hbm>> -> memref<50x64xf32, #tpu.memory_space<hbm>>
        %dma_wait3A_1083 = tpu.memref_slice %arg8[%dma_wait3A_1074] : memref<2x!tpu.dma_semaphore, #tpu.memory_space<semaphore_mem>> -> memref<1x!tpu.dma_semaphore, #tpu.memory_space<semaphore_mem>>
        %dma_wait3A_1084 = tpu.memref_squeeze %dma_wait3A_1083 : memref<1x!tpu.dma_semaphore, #tpu.memory_space<semaphore_mem>> -> memref<!tpu.dma_semaphore, #tpu.memory_space<semaphore_mem>>
        %dma_wait3A_1085 = arith.constant 0 : i32
        %dma_wait3A_1086 = arith.constant 0 : i32
        %dma_wait3A_1087 = tpu.memref_slice %arg4[%add3A_1072, %dma_wait3A_1085, %dma_wait3A_1086] : memref<16384x50x64xf32, #tpu.memory_space<hbm>> -> memref<1x50x64xf32, #tpu.memory_space<hbm>>
        %dma_wait3A_1088 = tpu.memref_squeeze %dma_wait3A_1087 : memref<1x50x64xf32, #tpu.memory_space<hbm>> -> memref<50x64xf32, #tpu.memory_space<hbm>>
        %dma_wait3A_1089 = arith.constant 300 : i32
        %dma_wait3A_1090 = arith.constant 0 : i32
        %dma_wait3A_1091 = tpu.memref_slice %arg6[%dma_wait3A_1073, %dma_wait3A_1089, %dma_wait3A_1090] : memref<2x400x64xf32, #tpu.memory_space<vmem>> -> memref<1x50x64xf32, #tpu.memory_space<vmem>>
        %dma_wait3A_1092 = tpu.memref_squeeze %dma_wait3A_1091 : memref<1x50x64xf32, #tpu.memory_space<vmem>> -> memref<50x64xf32, #tpu.memory_space<vmem>>
        tpu.wait_dma2 semaphore(%dma_wait3A_1084 : memref<!tpu.dma_semaphore, #tpu.memory_space<semaphore_mem>>) src(%dma_wait3A_1092 : memref<50x64xf32, #tpu.memory_space<vmem>>) dst(%dma_wait3A_1088 : memref<50x64xf32, #tpu.memory_space<hbm>>)
        %mul3A_1093 = arith.constant 512 : i32
        %mul3A_1094 = arith.muli %add3A, %mul3A_1093 : i32
        %mul3A_1095 = arith.constant 8 : i32
        %mul3A_1096 = arith.muli %mul3A_453, %mul3A_1095 : i32
        %add3A_1097 = arith.addi %mul3A_1094, %mul3A_1096 : i32
        %add3A_1098 = arith.constant 7 : i32
        %add3A_1099 = arith.addi %add3A_1097, %add3A_1098 : i32
        %dma_wait3A_1100 = arith.constant 0 : i32
        %dma_wait3A_1101 = arith.constant 0 : i32
        %dma_wait3A_1102 = arith.constant 350 : i32
        %dma_wait3A_1103 = arith.constant 0 : i32
        %dma_wait3A_1104 = tpu.memref_slice %arg6[%dma_wait3A_1100, %dma_wait3A_1102, %dma_wait3A_1103] : memref<2x400x64xf32, #tpu.memory_space<vmem>> -> memref<1x50x64xf32, #tpu.memory_space<vmem>>
        %dma_wait3A_1105 = tpu.memref_squeeze %dma_wait3A_1104 : memref<1x50x64xf32, #tpu.memory_space<vmem>> -> memref<50x64xf32, #tpu.memory_space<vmem>>
        %dma_wait3A_1106 = arith.constant 0 : i32
        %dma_wait3A_1107 = arith.constant 0 : i32
        %dma_wait3A_1108 = tpu.memref_slice %arg4[%add3A_1099, %dma_wait3A_1106, %dma_wait3A_1107] : memref<16384x50x64xf32, #tpu.memory_space<hbm>> -> memref<1x50x64xf32, #tpu.memory_space<hbm>>
        %dma_wait3A_1109 = tpu.memref_squeeze %dma_wait3A_1108 : memref<1x50x64xf32, #tpu.memory_space<hbm>> -> memref<50x64xf32, #tpu.memory_space<hbm>>
        %dma_wait3A_1110 = tpu.memref_slice %arg8[%dma_wait3A_1101] : memref<2x!tpu.dma_semaphore, #tpu.memory_space<semaphore_mem>> -> memref<1x!tpu.dma_semaphore, #tpu.memory_space<semaphore_mem>>
        %dma_wait3A_1111 = tpu.memref_squeeze %dma_wait3A_1110 : memref<1x!tpu.dma_semaphore, #tpu.memory_space<semaphore_mem>> -> memref<!tpu.dma_semaphore, #tpu.memory_space<semaphore_mem>>
        %dma_wait3A_1112 = arith.constant 0 : i32
        %dma_wait3A_1113 = arith.constant 0 : i32
        %dma_wait3A_1114 = tpu.memref_slice %arg4[%add3A_1099, %dma_wait3A_1112, %dma_wait3A_1113] : memref<16384x50x64xf32, #tpu.memory_space<hbm>> -> memref<1x50x64xf32, #tpu.memory_space<hbm>>
        %dma_wait3A_1115 = tpu.memref_squeeze %dma_wait3A_1114 : memref<1x50x64xf32, #tpu.memory_space<hbm>> -> memref<50x64xf32, #tpu.memory_space<hbm>>
        %dma_wait3A_1116 = arith.constant 350 : i32
        %dma_wait3A_1117 = arith.constant 0 : i32
        %dma_wait3A_1118 = tpu.memref_slice %arg6[%dma_wait3A_1100, %dma_wait3A_1116, %dma_wait3A_1117] : memref<2x400x64xf32, #tpu.memory_space<vmem>> -> memref<1x50x64xf32, #tpu.memory_space<vmem>>
        %dma_wait3A_1119 = tpu.memref_squeeze %dma_wait3A_1118 : memref<1x50x64xf32, #tpu.memory_space<vmem>> -> memref<50x64xf32, #tpu.memory_space<vmem>>
        tpu.wait_dma2 semaphore(%dma_wait3A_1111 : memref<!tpu.dma_semaphore, #tpu.memory_space<semaphore_mem>>) src(%dma_wait3A_1119 : memref<50x64xf32, #tpu.memory_space<vmem>>) dst(%dma_wait3A_1115 : memref<50x64xf32, #tpu.memory_space<hbm>>)
        %add3A_1120 = arith.constant 2 : i32
        %add3A_1121 = arith.addi %mul3A_453, %add3A_1120 : i32
        %mul3A_1122 = arith.constant 400 : i32
        %mul3A_1123 = arith.muli %add3A_1121, %mul3A_1122 : i32
        %multiple_of3A_1124 = tpu.assume_multiple %mul3A_1123, 400 : i32
        %dma_start3A_1125 = arith.constant 0 : i32
        %dma_start3A_1126 = arith.constant 0 : i32
        %dma_start3A_1127 = arith.constant 0 : i32
        %dma_start3A_1128 = arith.constant 0 : i32
        %dma_start3A_1129 = tpu.memref_slice %arg6[%dma_start3A_1125, %dma_start3A_1127, %dma_start3A_1128] : memref<2x400x64xf32, #tpu.memory_space<vmem>> -> memref<1x400x64xf32, #tpu.memory_space<vmem>>
        %dma_start3A_1130 = tpu.memref_squeeze %dma_start3A_1129 : memref<1x400x64xf32, #tpu.memory_space<vmem>> -> memref<400x64xf32, #tpu.memory_space<vmem>>
        %dma_start3A_1131 = tpu.memref_slice %arg5[%multiple_of3A_1124] : memref<25600xi32, #tpu.memory_space<vmem>> -> memref<400xi32, #tpu.memory_space<vmem>>
        %dma_start3A_1132 = arith.constant 0 : i32
        %dma_start3A_1133 = arith.constant 0 : i32
        %dma_start3A_1134 = tpu.memref_slice %arg2[%dma_start3A_1132, %dma_start3A_1133] : memref<1000000x64xf32, #tpu.memory_space<hbm>> -> memref<1000000x64xf32, #tpu.memory_space<hbm>>
        %dma_start3A_1135 = tpu.memref_slice %arg7[%dma_start3A_1126] : memref<2x!tpu.dma_semaphore, #tpu.memory_space<semaphore_mem>> -> memref<1x!tpu.dma_semaphore, #tpu.memory_space<semaphore_mem>>
        %dma_start3A_1136 = tpu.memref_squeeze %dma_start3A_1135 : memref<1x!tpu.dma_semaphore, #tpu.memory_space<semaphore_mem>> -> memref<!tpu.dma_semaphore, #tpu.memory_space<semaphore_mem>>
        tpu.enqueue_indirect_dma source(%dma_start3A_1134 : memref<1000000x64xf32, #tpu.memory_space<hbm>>) target(%dma_start3A_1130 : memref<400x64xf32, #tpu.memory_space<vmem>>) offsets(%dma_start3A_1131 : memref<400xi32, #tpu.memory_space<vmem>>) semaphore(%dma_start3A_1136 : memref<!tpu.dma_semaphore, #tpu.memory_space<semaphore_mem>>)
      } else {
      }
      %mul3A_675 = arith.constant 2 : i32
      %mul3A_676 = arith.muli %mul3A_675, %scan3A_450 : i32
      %add3A_677 = arith.constant 1 : i32
      %add3A_678 = arith.addi %mul3A_676, %add3A_677 : i32
      %mul3A_679 = arith.constant 400 : i32
      %mul3A_680 = arith.muli %add3A_678, %mul3A_679 : i32
      %multiple_of3A_681 = tpu.assume_multiple %mul3A_680, 400 : i32
      %dma_wait3A_682 = arith.constant 1 : i32
      %dma_wait3A_683 = arith.constant 1 : i32
      %dma_wait3A_684 = arith.constant 0 : i32
      %dma_wait3A_685 = arith.constant 0 : i32
      %dma_wait3A_686 = tpu.memref_slice %arg6[%dma_wait3A_682, %dma_wait3A_684, %dma_wait3A_685] : memref<2x400x64xf32, #tpu.memory_space<vmem>> -> memref<1x400x64xf32, #tpu.memory_space<vmem>>
      %dma_wait3A_687 = tpu.memref_squeeze %dma_wait3A_686 : memref<1x400x64xf32, #tpu.memory_space<vmem>> -> memref<400x64xf32, #tpu.memory_space<vmem>>
      %dma_wait3A_688 = tpu.memref_slice %arg5[%multiple_of3A_681] : memref<25600xi32, #tpu.memory_space<vmem>> -> memref<400xi32, #tpu.memory_space<vmem>>
      %dma_wait3A_689 = arith.constant 0 : i32
      %dma_wait3A_690 = arith.constant 0 : i32
      %dma_wait3A_691 = tpu.memref_slice %arg2[%dma_wait3A_689, %dma_wait3A_690] : memref<1000000x64xf32, #tpu.memory_space<hbm>> -> memref<1000000x64xf32, #tpu.memory_space<hbm>>
      %dma_wait3A_692 = tpu.memref_slice %arg7[%dma_wait3A_683] : memref<2x!tpu.dma_semaphore, #tpu.memory_space<semaphore_mem>> -> memref<1x!tpu.dma_semaphore, #tpu.memory_space<semaphore_mem>>
      %dma_wait3A_693 = tpu.memref_squeeze %dma_wait3A_692 : memref<1x!tpu.dma_semaphore, #tpu.memory_space<semaphore_mem>> -> memref<!tpu.dma_semaphore, #tpu.memory_space<semaphore_mem>>
      tpu.wait_indirect_dma semaphore(%dma_wait3A_693 : memref<!tpu.dma_semaphore, #tpu.memory_space<semaphore_mem>>) src(%dma_wait3A_691 : memref<1000000x64xf32, #tpu.memory_space<hbm>>) dst(%dma_wait3A_687 : memref<400x64xf32, #tpu.memory_space<vmem>>)
      %mul3A_694 = arith.constant 512 : i32
      %mul3A_695 = arith.muli %add3A, %mul3A_694 : i32
      %mul3A_696 = arith.constant 8 : i32
      %mul3A_697 = arith.muli %add3A_678, %mul3A_696 : i32
      %add3A_698 = arith.addi %mul3A_695, %mul3A_697 : i32
      %add3A_699 = arith.constant 0 : i32
      %add3A_700 = arith.addi %add3A_698, %add3A_699 : i32
      %dma_start3A_701 = arith.constant 1 : i32
      %dma_start3A_702 = arith.constant 1 : i32
      %dma_start3A_703 = arith.constant 0 : i32
      %dma_start3A_704 = arith.constant 0 : i32
      %dma_start3A_705 = tpu.memref_slice %arg6[%dma_start3A_701, %dma_start3A_703, %dma_start3A_704] : memref<2x400x64xf32, #tpu.memory_space<vmem>> -> memref<1x50x64xf32, #tpu.memory_space<vmem>>
      %dma_start3A_706 = tpu.memref_squeeze %dma_start3A_705 : memref<1x50x64xf32, #tpu.memory_space<vmem>> -> memref<50x64xf32, #tpu.memory_space<vmem>>
      %dma_start3A_707 = arith.constant 0 : i32
      %dma_start3A_708 = arith.constant 0 : i32
      %dma_start3A_709 = tpu.memref_slice %arg4[%add3A_700, %dma_start3A_707, %dma_start3A_708] : memref<16384x50x64xf32, #tpu.memory_space<hbm>> -> memref<1x50x64xf32, #tpu.memory_space<hbm>>
      %dma_start3A_710 = tpu.memref_squeeze %dma_start3A_709 : memref<1x50x64xf32, #tpu.memory_space<hbm>> -> memref<50x64xf32, #tpu.memory_space<hbm>>
      %dma_start3A_711 = tpu.memref_slice %arg8[%dma_start3A_702] : memref<2x!tpu.dma_semaphore, #tpu.memory_space<semaphore_mem>> -> memref<1x!tpu.dma_semaphore, #tpu.memory_space<semaphore_mem>>
      %dma_start3A_712 = tpu.memref_squeeze %dma_start3A_711 : memref<1x!tpu.dma_semaphore, #tpu.memory_space<semaphore_mem>> -> memref<!tpu.dma_semaphore, #tpu.memory_space<semaphore_mem>>
      %dma_start3A_713 = arith.constant 0 : i32
      %dma_start3A_714 = arith.constant 0 : i32
      %dma_start3A_715 = tpu.memref_slice %arg4[%add3A_700, %dma_start3A_713, %dma_start3A_714] : memref<16384x50x64xf32, #tpu.memory_space<hbm>> -> memref<1x50x64xf32, #tpu.memory_space<hbm>>
      %dma_start3A_716 = tpu.memref_squeeze %dma_start3A_715 : memref<1x50x64xf32, #tpu.memory_space<hbm>> -> memref<50x64xf32, #tpu.memory_space<hbm>>
      %dma_start3A_717 = arith.constant 0 : i32
      %dma_start3A_718 = arith.constant 0 : i32
      %dma_start3A_719 = tpu.memref_slice %arg6[%dma_start3A_701, %dma_start3A_717, %dma_start3A_718] : memref<2x400x64xf32, #tpu.memory_space<vmem>> -> memref<1x50x64xf32, #tpu.memory_space<vmem>>
      %dma_start3A_720 = tpu.memref_squeeze %dma_start3A_719 : memref<1x50x64xf32, #tpu.memory_space<vmem>> -> memref<50x64xf32, #tpu.memory_space<vmem>>
      tpu.enqueue_dma source(%dma_start3A_720 : memref<50x64xf32, #tpu.memory_space<vmem>>) target(%dma_start3A_716 : memref<50x64xf32, #tpu.memory_space<hbm>>) target_semaphore(%dma_start3A_712 : memref<!tpu.dma_semaphore, #tpu.memory_space<semaphore_mem>>)
      %mul3A_721 = arith.constant 8 : i32
      %mul3A_722 = arith.muli %add3A_678, %mul3A_721 : i32
      %add3A_723 = arith.addi %mul3A_695, %mul3A_722 : i32
      %add3A_724 = arith.constant 1 : i32
      %add3A_725 = arith.addi %add3A_723, %add3A_724 : i32
      %dma_start3A_726 = arith.constant 1 : i32
      %dma_start3A_727 = arith.constant 1 : i32
      %dma_start3A_728 = arith.constant 50 : i32
      %dma_start3A_729 = arith.constant 0 : i32
      %dma_start3A_730 = tpu.memref_slice %arg6[%dma_start3A_726, %dma_start3A_728, %dma_start3A_729] : memref<2x400x64xf32, #tpu.memory_space<vmem>> -> memref<1x50x64xf32, #tpu.memory_space<vmem>>
      %dma_start3A_731 = tpu.memref_squeeze %dma_start3A_730 : memref<1x50x64xf32, #tpu.memory_space<vmem>> -> memref<50x64xf32, #tpu.memory_space<vmem>>
      %dma_start3A_732 = arith.constant 0 : i32
      %dma_start3A_733 = arith.constant 0 : i32
      %dma_start3A_734 = tpu.memref_slice %arg4[%add3A_725, %dma_start3A_732, %dma_start3A_733] : memref<16384x50x64xf32, #tpu.memory_space<hbm>> -> memref<1x50x64xf32, #tpu.memory_space<hbm>>
      %dma_start3A_735 = tpu.memref_squeeze %dma_start3A_734 : memref<1x50x64xf32, #tpu.memory_space<hbm>> -> memref<50x64xf32, #tpu.memory_space<hbm>>
      %dma_start3A_736 = tpu.memref_slice %arg8[%dma_start3A_727] : memref<2x!tpu.dma_semaphore, #tpu.memory_space<semaphore_mem>> -> memref<1x!tpu.dma_semaphore, #tpu.memory_space<semaphore_mem>>
      %dma_start3A_737 = tpu.memref_squeeze %dma_start3A_736 : memref<1x!tpu.dma_semaphore, #tpu.memory_space<semaphore_mem>> -> memref<!tpu.dma_semaphore, #tpu.memory_space<semaphore_mem>>
      %dma_start3A_738 = arith.constant 0 : i32
      %dma_start3A_739 = arith.constant 0 : i32
      %dma_start3A_740 = tpu.memref_slice %arg4[%add3A_725, %dma_start3A_738, %dma_start3A_739] : memref<16384x50x64xf32, #tpu.memory_space<hbm>> -> memref<1x50x64xf32, #tpu.memory_space<hbm>>
      %dma_start3A_741 = tpu.memref_squeeze %dma_start3A_740 : memref<1x50x64xf32, #tpu.memory_space<hbm>> -> memref<50x64xf32, #tpu.memory_space<hbm>>
      %dma_start3A_742 = arith.constant 50 : i32
      %dma_start3A_743 = arith.constant 0 : i32
      %dma_start3A_744 = tpu.memref_slice %arg6[%dma_start3A_726, %dma_start3A_742, %dma_start3A_743] : memref<2x400x64xf32, #tpu.memory_space<vmem>> -> memref<1x50x64xf32, #tpu.memory_space<vmem>>
      %dma_start3A_745 = tpu.memref_squeeze %dma_start3A_744 : memref<1x50x64xf32, #tpu.memory_space<vmem>> -> memref<50x64xf32, #tpu.memory_space<vmem>>
      tpu.enqueue_dma source(%dma_start3A_745 : memref<50x64xf32, #tpu.memory_space<vmem>>) target(%dma_start3A_741 : memref<50x64xf32, #tpu.memory_space<hbm>>) target_semaphore(%dma_start3A_737 : memref<!tpu.dma_semaphore, #tpu.memory_space<semaphore_mem>>)
      %mul3A_746 = arith.constant 8 : i32
      %mul3A_747 = arith.muli %add3A_678, %mul3A_746 : i32
      %add3A_748 = arith.addi %mul3A_695, %mul3A_747 : i32
      %add3A_749 = arith.constant 2 : i32
      %add3A_750 = arith.addi %add3A_748, %add3A_749 : i32
      %dma_start3A_751 = arith.constant 1 : i32
      %dma_start3A_752 = arith.constant 1 : i32
      %dma_start3A_753 = arith.constant 100 : i32
      %dma_start3A_754 = arith.constant 0 : i32
      %dma_start3A_755 = tpu.memref_slice %arg6[%dma_start3A_751, %dma_start3A_753, %dma_start3A_754] : memref<2x400x64xf32, #tpu.memory_space<vmem>> -> memref<1x50x64xf32, #tpu.memory_space<vmem>>
      %dma_start3A_756 = tpu.memref_squeeze %dma_start3A_755 : memref<1x50x64xf32, #tpu.memory_space<vmem>> -> memref<50x64xf32, #tpu.memory_space<vmem>>
      %dma_start3A_757 = arith.constant 0 : i32
      %dma_start3A_758 = arith.constant 0 : i32
      %dma_start3A_759 = tpu.memref_slice %arg4[%add3A_750, %dma_start3A_757, %dma_start3A_758] : memref<16384x50x64xf32, #tpu.memory_space<hbm>> -> memref<1x50x64xf32, #tpu.memory_space<hbm>>
      %dma_start3A_760 = tpu.memref_squeeze %dma_start3A_759 : memref<1x50x64xf32, #tpu.memory_space<hbm>> -> memref<50x64xf32, #tpu.memory_space<hbm>>
      %dma_start3A_761 = tpu.memref_slice %arg8[%dma_start3A_752] : memref<2x!tpu.dma_semaphore, #tpu.memory_space<semaphore_mem>> -> memref<1x!tpu.dma_semaphore, #tpu.memory_space<semaphore_mem>>
      %dma_start3A_762 = tpu.memref_squeeze %dma_start3A_761 : memref<1x!tpu.dma_semaphore, #tpu.memory_space<semaphore_mem>> -> memref<!tpu.dma_semaphore, #tpu.memory_space<semaphore_mem>>
      %dma_start3A_763 = arith.constant 0 : i32
      %dma_start3A_764 = arith.constant 0 : i32
      %dma_start3A_765 = tpu.memref_slice %arg4[%add3A_750, %dma_start3A_763, %dma_start3A_764] : memref<16384x50x64xf32, #tpu.memory_space<hbm>> -> memref<1x50x64xf32, #tpu.memory_space<hbm>>
      %dma_start3A_766 = tpu.memref_squeeze %dma_start3A_765 : memref<1x50x64xf32, #tpu.memory_space<hbm>> -> memref<50x64xf32, #tpu.memory_space<hbm>>
      %dma_start3A_767 = arith.constant 100 : i32
      %dma_start3A_768 = arith.constant 0 : i32
      %dma_start3A_769 = tpu.memref_slice %arg6[%dma_start3A_751, %dma_start3A_767, %dma_start3A_768] : memref<2x400x64xf32, #tpu.memory_space<vmem>> -> memref<1x50x64xf32, #tpu.memory_space<vmem>>
      %dma_start3A_770 = tpu.memref_squeeze %dma_start3A_769 : memref<1x50x64xf32, #tpu.memory_space<vmem>> -> memref<50x64xf32, #tpu.memory_space<vmem>>
      tpu.enqueue_dma source(%dma_start3A_770 : memref<50x64xf32, #tpu.memory_space<vmem>>) target(%dma_start3A_766 : memref<50x64xf32, #tpu.memory_space<hbm>>) target_semaphore(%dma_start3A_762 : memref<!tpu.dma_semaphore, #tpu.memory_space<semaphore_mem>>)
      %mul3A_771 = arith.constant 8 : i32
      %mul3A_772 = arith.muli %add3A_678, %mul3A_771 : i32
      %add3A_773 = arith.addi %mul3A_695, %mul3A_772 : i32
      %add3A_774 = arith.constant 3 : i32
      %add3A_775 = arith.addi %add3A_773, %add3A_774 : i32
      %dma_start3A_776 = arith.constant 1 : i32
      %dma_start3A_777 = arith.constant 1 : i32
      %dma_start3A_778 = arith.constant 150 : i32
      %dma_start3A_779 = arith.constant 0 : i32
      %dma_start3A_780 = tpu.memref_slice %arg6[%dma_start3A_776, %dma_start3A_778, %dma_start3A_779] : memref<2x400x64xf32, #tpu.memory_space<vmem>> -> memref<1x50x64xf32, #tpu.memory_space<vmem>>
      %dma_start3A_781 = tpu.memref_squeeze %dma_start3A_780 : memref<1x50x64xf32, #tpu.memory_space<vmem>> -> memref<50x64xf32, #tpu.memory_space<vmem>>
      %dma_start3A_782 = arith.constant 0 : i32
      %dma_start3A_783 = arith.constant 0 : i32
      %dma_start3A_784 = tpu.memref_slice %arg4[%add3A_775, %dma_start3A_782, %dma_start3A_783] : memref<16384x50x64xf32, #tpu.memory_space<hbm>> -> memref<1x50x64xf32, #tpu.memory_space<hbm>>
      %dma_start3A_785 = tpu.memref_squeeze %dma_start3A_784 : memref<1x50x64xf32, #tpu.memory_space<hbm>> -> memref<50x64xf32, #tpu.memory_space<hbm>>
      %dma_start3A_786 = tpu.memref_slice %arg8[%dma_start3A_777] : memref<2x!tpu.dma_semaphore, #tpu.memory_space<semaphore_mem>> -> memref<1x!tpu.dma_semaphore, #tpu.memory_space<semaphore_mem>>
      %dma_start3A_787 = tpu.memref_squeeze %dma_start3A_786 : memref<1x!tpu.dma_semaphore, #tpu.memory_space<semaphore_mem>> -> memref<!tpu.dma_semaphore, #tpu.memory_space<semaphore_mem>>
      %dma_start3A_788 = arith.constant 0 : i32
      %dma_start3A_789 = arith.constant 0 : i32
      %dma_start3A_790 = tpu.memref_slice %arg4[%add3A_775, %dma_start3A_788, %dma_start3A_789] : memref<16384x50x64xf32, #tpu.memory_space<hbm>> -> memref<1x50x64xf32, #tpu.memory_space<hbm>>
      %dma_start3A_791 = tpu.memref_squeeze %dma_start3A_790 : memref<1x50x64xf32, #tpu.memory_space<hbm>> -> memref<50x64xf32, #tpu.memory_space<hbm>>
      %dma_start3A_792 = arith.constant 150 : i32
      %dma_start3A_793 = arith.constant 0 : i32
      %dma_start3A_794 = tpu.memref_slice %arg6[%dma_start3A_776, %dma_start3A_792, %dma_start3A_793] : memref<2x400x64xf32, #tpu.memory_space<vmem>> -> memref<1x50x64xf32, #tpu.memory_space<vmem>>
      %dma_start3A_795 = tpu.memref_squeeze %dma_start3A_794 : memref<1x50x64xf32, #tpu.memory_space<vmem>> -> memref<50x64xf32, #tpu.memory_space<vmem>>
      tpu.enqueue_dma source(%dma_start3A_795 : memref<50x64xf32, #tpu.memory_space<vmem>>) target(%dma_start3A_791 : memref<50x64xf32, #tpu.memory_space<hbm>>) target_semaphore(%dma_start3A_787 : memref<!tpu.dma_semaphore, #tpu.memory_space<semaphore_mem>>)
      %mul3A_796 = arith.constant 8 : i32
      %mul3A_797 = arith.muli %add3A_678, %mul3A_796 : i32
      %add3A_798 = arith.addi %mul3A_695, %mul3A_797 : i32
      %add3A_799 = arith.constant 4 : i32
      %add3A_800 = arith.addi %add3A_798, %add3A_799 : i32
      %dma_start3A_801 = arith.constant 1 : i32
      %dma_start3A_802 = arith.constant 1 : i32
      %dma_start3A_803 = arith.constant 200 : i32
      %dma_start3A_804 = arith.constant 0 : i32
      %dma_start3A_805 = tpu.memref_slice %arg6[%dma_start3A_801, %dma_start3A_803, %dma_start3A_804] : memref<2x400x64xf32, #tpu.memory_space<vmem>> -> memref<1x50x64xf32, #tpu.memory_space<vmem>>
      %dma_start3A_806 = tpu.memref_squeeze %dma_start3A_805 : memref<1x50x64xf32, #tpu.memory_space<vmem>> -> memref<50x64xf32, #tpu.memory_space<vmem>>
      %dma_start3A_807 = arith.constant 0 : i32
      %dma_start3A_808 = arith.constant 0 : i32
      %dma_start3A_809 = tpu.memref_slice %arg4[%add3A_800, %dma_start3A_807, %dma_start3A_808] : memref<16384x50x64xf32, #tpu.memory_space<hbm>> -> memref<1x50x64xf32, #tpu.memory_space<hbm>>
      %dma_start3A_810 = tpu.memref_squeeze %dma_start3A_809 : memref<1x50x64xf32, #tpu.memory_space<hbm>> -> memref<50x64xf32, #tpu.memory_space<hbm>>
      %dma_start3A_811 = tpu.memref_slice %arg8[%dma_start3A_802] : memref<2x!tpu.dma_semaphore, #tpu.memory_space<semaphore_mem>> -> memref<1x!tpu.dma_semaphore, #tpu.memory_space<semaphore_mem>>
      %dma_start3A_812 = tpu.memref_squeeze %dma_start3A_811 : memref<1x!tpu.dma_semaphore, #tpu.memory_space<semaphore_mem>> -> memref<!tpu.dma_semaphore, #tpu.memory_space<semaphore_mem>>
      %dma_start3A_813 = arith.constant 0 : i32
      %dma_start3A_814 = arith.constant 0 : i32
      %dma_start3A_815 = tpu.memref_slice %arg4[%add3A_800, %dma_start3A_813, %dma_start3A_814] : memref<16384x50x64xf32, #tpu.memory_space<hbm>> -> memref<1x50x64xf32, #tpu.memory_space<hbm>>
      %dma_start3A_816 = tpu.memref_squeeze %dma_start3A_815 : memref<1x50x64xf32, #tpu.memory_space<hbm>> -> memref<50x64xf32, #tpu.memory_space<hbm>>
      %dma_start3A_817 = arith.constant 200 : i32
      %dma_start3A_818 = arith.constant 0 : i32
      %dma_start3A_819 = tpu.memref_slice %arg6[%dma_start3A_801, %dma_start3A_817, %dma_start3A_818] : memref<2x400x64xf32, #tpu.memory_space<vmem>> -> memref<1x50x64xf32, #tpu.memory_space<vmem>>
      %dma_start3A_820 = tpu.memref_squeeze %dma_start3A_819 : memref<1x50x64xf32, #tpu.memory_space<vmem>> -> memref<50x64xf32, #tpu.memory_space<vmem>>
      tpu.enqueue_dma source(%dma_start3A_820 : memref<50x64xf32, #tpu.memory_space<vmem>>) target(%dma_start3A_816 : memref<50x64xf32, #tpu.memory_space<hbm>>) target_semaphore(%dma_start3A_812 : memref<!tpu.dma_semaphore, #tpu.memory_space<semaphore_mem>>)
      %mul3A_821 = arith.constant 8 : i32
      %mul3A_822 = arith.muli %add3A_678, %mul3A_821 : i32
      %add3A_823 = arith.addi %mul3A_695, %mul3A_822 : i32
      %add3A_824 = arith.constant 5 : i32
      %add3A_825 = arith.addi %add3A_823, %add3A_824 : i32
      %dma_start3A_826 = arith.constant 1 : i32
      %dma_start3A_827 = arith.constant 1 : i32
      %dma_start3A_828 = arith.constant 250 : i32
      %dma_start3A_829 = arith.constant 0 : i32
      %dma_start3A_830 = tpu.memref_slice %arg6[%dma_start3A_826, %dma_start3A_828, %dma_start3A_829] : memref<2x400x64xf32, #tpu.memory_space<vmem>> -> memref<1x50x64xf32, #tpu.memory_space<vmem>>
      %dma_start3A_831 = tpu.memref_squeeze %dma_start3A_830 : memref<1x50x64xf32, #tpu.memory_space<vmem>> -> memref<50x64xf32, #tpu.memory_space<vmem>>
      %dma_start3A_832 = arith.constant 0 : i32
      %dma_start3A_833 = arith.constant 0 : i32
      %dma_start3A_834 = tpu.memref_slice %arg4[%add3A_825, %dma_start3A_832, %dma_start3A_833] : memref<16384x50x64xf32, #tpu.memory_space<hbm>> -> memref<1x50x64xf32, #tpu.memory_space<hbm>>
      %dma_start3A_835 = tpu.memref_squeeze %dma_start3A_834 : memref<1x50x64xf32, #tpu.memory_space<hbm>> -> memref<50x64xf32, #tpu.memory_space<hbm>>
      %dma_start3A_836 = tpu.memref_slice %arg8[%dma_start3A_827] : memref<2x!tpu.dma_semaphore, #tpu.memory_space<semaphore_mem>> -> memref<1x!tpu.dma_semaphore, #tpu.memory_space<semaphore_mem>>
      %dma_start3A_837 = tpu.memref_squeeze %dma_start3A_836 : memref<1x!tpu.dma_semaphore, #tpu.memory_space<semaphore_mem>> -> memref<!tpu.dma_semaphore, #tpu.memory_space<semaphore_mem>>
      %dma_start3A_838 = arith.constant 0 : i32
      %dma_start3A_839 = arith.constant 0 : i32
      %dma_start3A_840 = tpu.memref_slice %arg4[%add3A_825, %dma_start3A_838, %dma_start3A_839] : memref<16384x50x64xf32, #tpu.memory_space<hbm>> -> memref<1x50x64xf32, #tpu.memory_space<hbm>>
      %dma_start3A_841 = tpu.memref_squeeze %dma_start3A_840 : memref<1x50x64xf32, #tpu.memory_space<hbm>> -> memref<50x64xf32, #tpu.memory_space<hbm>>
      %dma_start3A_842 = arith.constant 250 : i32
      %dma_start3A_843 = arith.constant 0 : i32
      %dma_start3A_844 = tpu.memref_slice %arg6[%dma_start3A_826, %dma_start3A_842, %dma_start3A_843] : memref<2x400x64xf32, #tpu.memory_space<vmem>> -> memref<1x50x64xf32, #tpu.memory_space<vmem>>
      %dma_start3A_845 = tpu.memref_squeeze %dma_start3A_844 : memref<1x50x64xf32, #tpu.memory_space<vmem>> -> memref<50x64xf32, #tpu.memory_space<vmem>>
      tpu.enqueue_dma source(%dma_start3A_845 : memref<50x64xf32, #tpu.memory_space<vmem>>) target(%dma_start3A_841 : memref<50x64xf32, #tpu.memory_space<hbm>>) target_semaphore(%dma_start3A_837 : memref<!tpu.dma_semaphore, #tpu.memory_space<semaphore_mem>>)
      %mul3A_846 = arith.constant 8 : i32
      %mul3A_847 = arith.muli %add3A_678, %mul3A_846 : i32
      %add3A_848 = arith.addi %mul3A_695, %mul3A_847 : i32
      %add3A_849 = arith.constant 6 : i32
      %add3A_850 = arith.addi %add3A_848, %add3A_849 : i32
      %dma_start3A_851 = arith.constant 1 : i32
      %dma_start3A_852 = arith.constant 1 : i32
      %dma_start3A_853 = arith.constant 300 : i32
      %dma_start3A_854 = arith.constant 0 : i32
      %dma_start3A_855 = tpu.memref_slice %arg6[%dma_start3A_851, %dma_start3A_853, %dma_start3A_854] : memref<2x400x64xf32, #tpu.memory_space<vmem>> -> memref<1x50x64xf32, #tpu.memory_space<vmem>>
      %dma_start3A_856 = tpu.memref_squeeze %dma_start3A_855 : memref<1x50x64xf32, #tpu.memory_space<vmem>> -> memref<50x64xf32, #tpu.memory_space<vmem>>
      %dma_start3A_857 = arith.constant 0 : i32
      %dma_start3A_858 = arith.constant 0 : i32
      %dma_start3A_859 = tpu.memref_slice %arg4[%add3A_850, %dma_start3A_857, %dma_start3A_858] : memref<16384x50x64xf32, #tpu.memory_space<hbm>> -> memref<1x50x64xf32, #tpu.memory_space<hbm>>
      %dma_start3A_860 = tpu.memref_squeeze %dma_start3A_859 : memref<1x50x64xf32, #tpu.memory_space<hbm>> -> memref<50x64xf32, #tpu.memory_space<hbm>>
      %dma_start3A_861 = tpu.memref_slice %arg8[%dma_start3A_852] : memref<2x!tpu.dma_semaphore, #tpu.memory_space<semaphore_mem>> -> memref<1x!tpu.dma_semaphore, #tpu.memory_space<semaphore_mem>>
      %dma_start3A_862 = tpu.memref_squeeze %dma_start3A_861 : memref<1x!tpu.dma_semaphore, #tpu.memory_space<semaphore_mem>> -> memref<!tpu.dma_semaphore, #tpu.memory_space<semaphore_mem>>
      %dma_start3A_863 = arith.constant 0 : i32
      %dma_start3A_864 = arith.constant 0 : i32
      %dma_start3A_865 = tpu.memref_slice %arg4[%add3A_850, %dma_start3A_863, %dma_start3A_864] : memref<16384x50x64xf32, #tpu.memory_space<hbm>> -> memref<1x50x64xf32, #tpu.memory_space<hbm>>
      %dma_start3A_866 = tpu.memref_squeeze %dma_start3A_865 : memref<1x50x64xf32, #tpu.memory_space<hbm>> -> memref<50x64xf32, #tpu.memory_space<hbm>>
      %dma_start3A_867 = arith.constant 300 : i32
      %dma_start3A_868 = arith.constant 0 : i32
      %dma_start3A_869 = tpu.memref_slice %arg6[%dma_start3A_851, %dma_start3A_867, %dma_start3A_868] : memref<2x400x64xf32, #tpu.memory_space<vmem>> -> memref<1x50x64xf32, #tpu.memory_space<vmem>>
      %dma_start3A_870 = tpu.memref_squeeze %dma_start3A_869 : memref<1x50x64xf32, #tpu.memory_space<vmem>> -> memref<50x64xf32, #tpu.memory_space<vmem>>
      tpu.enqueue_dma source(%dma_start3A_870 : memref<50x64xf32, #tpu.memory_space<vmem>>) target(%dma_start3A_866 : memref<50x64xf32, #tpu.memory_space<hbm>>) target_semaphore(%dma_start3A_862 : memref<!tpu.dma_semaphore, #tpu.memory_space<semaphore_mem>>)
      %mul3A_871 = arith.constant 8 : i32
      %mul3A_872 = arith.muli %add3A_678, %mul3A_871 : i32
      %add3A_873 = arith.addi %mul3A_695, %mul3A_872 : i32
      %add3A_874 = arith.constant 7 : i32
      %add3A_875 = arith.addi %add3A_873, %add3A_874 : i32
      %dma_start3A_876 = arith.constant 1 : i32
      %dma_start3A_877 = arith.constant 1 : i32
      %dma_start3A_878 = arith.constant 350 : i32
      %dma_start3A_879 = arith.constant 0 : i32
      %dma_start3A_880 = tpu.memref_slice %arg6[%dma_start3A_876, %dma_start3A_878, %dma_start3A_879] : memref<2x400x64xf32, #tpu.memory_space<vmem>> -> memref<1x50x64xf32, #tpu.memory_space<vmem>>
      %dma_start3A_881 = tpu.memref_squeeze %dma_start3A_880 : memref<1x50x64xf32, #tpu.memory_space<vmem>> -> memref<50x64xf32, #tpu.memory_space<vmem>>
      %dma_start3A_882 = arith.constant 0 : i32
      %dma_start3A_883 = arith.constant 0 : i32
      %dma_start3A_884 = tpu.memref_slice %arg4[%add3A_875, %dma_start3A_882, %dma_start3A_883] : memref<16384x50x64xf32, #tpu.memory_space<hbm>> -> memref<1x50x64xf32, #tpu.memory_space<hbm>>
      %dma_start3A_885 = tpu.memref_squeeze %dma_start3A_884 : memref<1x50x64xf32, #tpu.memory_space<hbm>> -> memref<50x64xf32, #tpu.memory_space<hbm>>
      %dma_start3A_886 = tpu.memref_slice %arg8[%dma_start3A_877] : memref<2x!tpu.dma_semaphore, #tpu.memory_space<semaphore_mem>> -> memref<1x!tpu.dma_semaphore, #tpu.memory_space<semaphore_mem>>
      %dma_start3A_887 = tpu.memref_squeeze %dma_start3A_886 : memref<1x!tpu.dma_semaphore, #tpu.memory_space<semaphore_mem>> -> memref<!tpu.dma_semaphore, #tpu.memory_space<semaphore_mem>>
      %dma_start3A_888 = arith.constant 0 : i32
      %dma_start3A_889 = arith.constant 0 : i32
      %dma_start3A_890 = tpu.memref_slice %arg4[%add3A_875, %dma_start3A_888, %dma_start3A_889] : memref<16384x50x64xf32, #tpu.memory_space<hbm>> -> memref<1x50x64xf32, #tpu.memory_space<hbm>>
      %dma_start3A_891 = tpu.memref_squeeze %dma_start3A_890 : memref<1x50x64xf32, #tpu.memory_space<hbm>> -> memref<50x64xf32, #tpu.memory_space<hbm>>
      %dma_start3A_892 = arith.constant 350 : i32
      %dma_start3A_893 = arith.constant 0 : i32
      %dma_start3A_894 = tpu.memref_slice %arg6[%dma_start3A_876, %dma_start3A_892, %dma_start3A_893] : memref<2x400x64xf32, #tpu.memory_space<vmem>> -> memref<1x50x64xf32, #tpu.memory_space<vmem>>
      %dma_start3A_895 = tpu.memref_squeeze %dma_start3A_894 : memref<1x50x64xf32, #tpu.memory_space<vmem>> -> memref<50x64xf32, #tpu.memory_space<vmem>>
      tpu.enqueue_dma source(%dma_start3A_895 : memref<50x64xf32, #tpu.memory_space<vmem>>) target(%dma_start3A_891 : memref<50x64xf32, #tpu.memory_space<hbm>>) target_semaphore(%dma_start3A_887 : memref<!tpu.dma_semaphore, #tpu.memory_space<semaphore_mem>>)
      %add3A_896 = arith.constant 2 : i32
      %add3A_897 = arith.addi %add3A_678, %add3A_896 : i32
      %lt3A_898 = arith.constant 64 : i32
      %lt3A_899 = arith.cmpi slt, %add3A_897, %lt3A_898 : i32
      %convert_element_type3A_900 = arith.extui %lt3A_899 : i1 to i32
      %cond3A_901 = arith.constant 0 : i32
      %cond3A_902 = arith.cmpi ne, %convert_element_type3A_900, %cond3A_901 : i32
      scf.if %cond3A_902 {
        %mul3A_904 = arith.constant 512 : i32
        %mul3A_905 = arith.muli %add3A, %mul3A_904 : i32
        %mul3A_906 = arith.constant 8 : i32
        %mul3A_907 = arith.muli %add3A_678, %mul3A_906 : i32
        %add3A_908 = arith.addi %mul3A_905, %mul3A_907 : i32
        %add3A_909 = arith.constant 0 : i32
        %add3A_910 = arith.addi %add3A_908, %add3A_909 : i32
        %dma_wait3A_911 = arith.constant 1 : i32
        %dma_wait3A_912 = arith.constant 1 : i32
        %dma_wait3A_913 = arith.constant 0 : i32
        %dma_wait3A_914 = arith.constant 0 : i32
        %dma_wait3A_915 = tpu.memref_slice %arg6[%dma_wait3A_911, %dma_wait3A_913, %dma_wait3A_914] : memref<2x400x64xf32, #tpu.memory_space<vmem>> -> memref<1x50x64xf32, #tpu.memory_space<vmem>>
        %dma_wait3A_916 = tpu.memref_squeeze %dma_wait3A_915 : memref<1x50x64xf32, #tpu.memory_space<vmem>> -> memref<50x64xf32, #tpu.memory_space<vmem>>
        %dma_wait3A_917 = arith.constant 0 : i32
        %dma_wait3A_918 = arith.constant 0 : i32
        %dma_wait3A_919 = tpu.memref_slice %arg4[%add3A_910, %dma_wait3A_917, %dma_wait3A_918] : memref<16384x50x64xf32, #tpu.memory_space<hbm>> -> memref<1x50x64xf32, #tpu.memory_space<hbm>>
        %dma_wait3A_920 = tpu.memref_squeeze %dma_wait3A_919 : memref<1x50x64xf32, #tpu.memory_space<hbm>> -> memref<50x64xf32, #tpu.memory_space<hbm>>
        %dma_wait3A_921 = tpu.memref_slice %arg8[%dma_wait3A_912] : memref<2x!tpu.dma_semaphore, #tpu.memory_space<semaphore_mem>> -> memref<1x!tpu.dma_semaphore, #tpu.memory_space<semaphore_mem>>
        %dma_wait3A_922 = tpu.memref_squeeze %dma_wait3A_921 : memref<1x!tpu.dma_semaphore, #tpu.memory_space<semaphore_mem>> -> memref<!tpu.dma_semaphore, #tpu.memory_space<semaphore_mem>>
        %dma_wait3A_923 = arith.constant 0 : i32
        %dma_wait3A_924 = arith.constant 0 : i32
        %dma_wait3A_925 = tpu.memref_slice %arg4[%add3A_910, %dma_wait3A_923, %dma_wait3A_924] : memref<16384x50x64xf32, #tpu.memory_space<hbm>> -> memref<1x50x64xf32, #tpu.memory_space<hbm>>
        %dma_wait3A_926 = tpu.memref_squeeze %dma_wait3A_925 : memref<1x50x64xf32, #tpu.memory_space<hbm>> -> memref<50x64xf32, #tpu.memory_space<hbm>>
        %dma_wait3A_927 = arith.constant 0 : i32
        %dma_wait3A_928 = arith.constant 0 : i32
        %dma_wait3A_929 = tpu.memref_slice %arg6[%dma_wait3A_911, %dma_wait3A_927, %dma_wait3A_928] : memref<2x400x64xf32, #tpu.memory_space<vmem>> -> memref<1x50x64xf32, #tpu.memory_space<vmem>>
        %dma_wait3A_930 = tpu.memref_squeeze %dma_wait3A_929 : memref<1x50x64xf32, #tpu.memory_space<vmem>> -> memref<50x64xf32, #tpu.memory_space<vmem>>
        tpu.wait_dma2 semaphore(%dma_wait3A_922 : memref<!tpu.dma_semaphore, #tpu.memory_space<semaphore_mem>>) src(%dma_wait3A_930 : memref<50x64xf32, #tpu.memory_space<vmem>>) dst(%dma_wait3A_926 : memref<50x64xf32, #tpu.memory_space<hbm>>)
        %mul3A_931 = arith.constant 512 : i32
        %mul3A_932 = arith.muli %add3A, %mul3A_931 : i32
        %mul3A_933 = arith.constant 8 : i32
        %mul3A_934 = arith.muli %add3A_678, %mul3A_933 : i32
        %add3A_935 = arith.addi %mul3A_932, %mul3A_934 : i32
        %add3A_936 = arith.constant 1 : i32
        %add3A_937 = arith.addi %add3A_935, %add3A_936 : i32
        %dma_wait3A_938 = arith.constant 1 : i32
        %dma_wait3A_939 = arith.constant 1 : i32
        %dma_wait3A_940 = arith.constant 50 : i32
        %dma_wait3A_941 = arith.constant 0 : i32
        %dma_wait3A_942 = tpu.memref_slice %arg6[%dma_wait3A_938, %dma_wait3A_940, %dma_wait3A_941] : memref<2x400x64xf32, #tpu.memory_space<vmem>> -> memref<1x50x64xf32, #tpu.memory_space<vmem>>
        %dma_wait3A_943 = tpu.memref_squeeze %dma_wait3A_942 : memref<1x50x64xf32, #tpu.memory_space<vmem>> -> memref<50x64xf32, #tpu.memory_space<vmem>>
        %dma_wait3A_944 = arith.constant 0 : i32
        %dma_wait3A_945 = arith.constant 0 : i32
        %dma_wait3A_946 = tpu.memref_slice %arg4[%add3A_937, %dma_wait3A_944, %dma_wait3A_945] : memref<16384x50x64xf32, #tpu.memory_space<hbm>> -> memref<1x50x64xf32, #tpu.memory_space<hbm>>
        %dma_wait3A_947 = tpu.memref_squeeze %dma_wait3A_946 : memref<1x50x64xf32, #tpu.memory_space<hbm>> -> memref<50x64xf32, #tpu.memory_space<hbm>>
        %dma_wait3A_948 = tpu.memref_slice %arg8[%dma_wait3A_939] : memref<2x!tpu.dma_semaphore, #tpu.memory_space<semaphore_mem>> -> memref<1x!tpu.dma_semaphore, #tpu.memory_space<semaphore_mem>>
        %dma_wait3A_949 = tpu.memref_squeeze %dma_wait3A_948 : memref<1x!tpu.dma_semaphore, #tpu.memory_space<semaphore_mem>> -> memref<!tpu.dma_semaphore, #tpu.memory_space<semaphore_mem>>
        %dma_wait3A_950 = arith.constant 0 : i32
        %dma_wait3A_951 = arith.constant 0 : i32
        %dma_wait3A_952 = tpu.memref_slice %arg4[%add3A_937, %dma_wait3A_950, %dma_wait3A_951] : memref<16384x50x64xf32, #tpu.memory_space<hbm>> -> memref<1x50x64xf32, #tpu.memory_space<hbm>>
        %dma_wait3A_953 = tpu.memref_squeeze %dma_wait3A_952 : memref<1x50x64xf32, #tpu.memory_space<hbm>> -> memref<50x64xf32, #tpu.memory_space<hbm>>
        %dma_wait3A_954 = arith.constant 50 : i32
        %dma_wait3A_955 = arith.constant 0 : i32
        %dma_wait3A_956 = tpu.memref_slice %arg6[%dma_wait3A_938, %dma_wait3A_954, %dma_wait3A_955] : memref<2x400x64xf32, #tpu.memory_space<vmem>> -> memref<1x50x64xf32, #tpu.memory_space<vmem>>
        %dma_wait3A_957 = tpu.memref_squeeze %dma_wait3A_956 : memref<1x50x64xf32, #tpu.memory_space<vmem>> -> memref<50x64xf32, #tpu.memory_space<vmem>>
        tpu.wait_dma2 semaphore(%dma_wait3A_949 : memref<!tpu.dma_semaphore, #tpu.memory_space<semaphore_mem>>) src(%dma_wait3A_957 : memref<50x64xf32, #tpu.memory_space<vmem>>) dst(%dma_wait3A_953 : memref<50x64xf32, #tpu.memory_space<hbm>>)
        %mul3A_958 = arith.constant 512 : i32
        %mul3A_959 = arith.muli %add3A, %mul3A_958 : i32
        %mul3A_960 = arith.constant 8 : i32
        %mul3A_961 = arith.muli %add3A_678, %mul3A_960 : i32
        %add3A_962 = arith.addi %mul3A_959, %mul3A_961 : i32
        %add3A_963 = arith.constant 2 : i32
        %add3A_964 = arith.addi %add3A_962, %add3A_963 : i32
        %dma_wait3A_965 = arith.constant 1 : i32
        %dma_wait3A_966 = arith.constant 1 : i32
        %dma_wait3A_967 = arith.constant 100 : i32
        %dma_wait3A_968 = arith.constant 0 : i32
        %dma_wait3A_969 = tpu.memref_slice %arg6[%dma_wait3A_965, %dma_wait3A_967, %dma_wait3A_968] : memref<2x400x64xf32, #tpu.memory_space<vmem>> -> memref<1x50x64xf32, #tpu.memory_space<vmem>>
        %dma_wait3A_970 = tpu.memref_squeeze %dma_wait3A_969 : memref<1x50x64xf32, #tpu.memory_space<vmem>> -> memref<50x64xf32, #tpu.memory_space<vmem>>
        %dma_wait3A_971 = arith.constant 0 : i32
        %dma_wait3A_972 = arith.constant 0 : i32
        %dma_wait3A_973 = tpu.memref_slice %arg4[%add3A_964, %dma_wait3A_971, %dma_wait3A_972] : memref<16384x50x64xf32, #tpu.memory_space<hbm>> -> memref<1x50x64xf32, #tpu.memory_space<hbm>>
        %dma_wait3A_974 = tpu.memref_squeeze %dma_wait3A_973 : memref<1x50x64xf32, #tpu.memory_space<hbm>> -> memref<50x64xf32, #tpu.memory_space<hbm>>
        %dma_wait3A_975 = tpu.memref_slice %arg8[%dma_wait3A_966] : memref<2x!tpu.dma_semaphore, #tpu.memory_space<semaphore_mem>> -> memref<1x!tpu.dma_semaphore, #tpu.memory_space<semaphore_mem>>
        %dma_wait3A_976 = tpu.memref_squeeze %dma_wait3A_975 : memref<1x!tpu.dma_semaphore, #tpu.memory_space<semaphore_mem>> -> memref<!tpu.dma_semaphore, #tpu.memory_space<semaphore_mem>>
        %dma_wait3A_977 = arith.constant 0 : i32
        %dma_wait3A_978 = arith.constant 0 : i32
        %dma_wait3A_979 = tpu.memref_slice %arg4[%add3A_964, %dma_wait3A_977, %dma_wait3A_978] : memref<16384x50x64xf32, #tpu.memory_space<hbm>> -> memref<1x50x64xf32, #tpu.memory_space<hbm>>
        %dma_wait3A_980 = tpu.memref_squeeze %dma_wait3A_979 : memref<1x50x64xf32, #tpu.memory_space<hbm>> -> memref<50x64xf32, #tpu.memory_space<hbm>>
        %dma_wait3A_981 = arith.constant 100 : i32
        %dma_wait3A_982 = arith.constant 0 : i32
        %dma_wait3A_983 = tpu.memref_slice %arg6[%dma_wait3A_965, %dma_wait3A_981, %dma_wait3A_982] : memref<2x400x64xf32, #tpu.memory_space<vmem>> -> memref<1x50x64xf32, #tpu.memory_space<vmem>>
        %dma_wait3A_984 = tpu.memref_squeeze %dma_wait3A_983 : memref<1x50x64xf32, #tpu.memory_space<vmem>> -> memref<50x64xf32, #tpu.memory_space<vmem>>
        tpu.wait_dma2 semaphore(%dma_wait3A_976 : memref<!tpu.dma_semaphore, #tpu.memory_space<semaphore_mem>>) src(%dma_wait3A_984 : memref<50x64xf32, #tpu.memory_space<vmem>>) dst(%dma_wait3A_980 : memref<50x64xf32, #tpu.memory_space<hbm>>)
        %mul3A_985 = arith.constant 512 : i32
        %mul3A_986 = arith.muli %add3A, %mul3A_985 : i32
        %mul3A_987 = arith.constant 8 : i32
        %mul3A_988 = arith.muli %add3A_678, %mul3A_987 : i32
        %add3A_989 = arith.addi %mul3A_986, %mul3A_988 : i32
        %add3A_990 = arith.constant 3 : i32
        %add3A_991 = arith.addi %add3A_989, %add3A_990 : i32
        %dma_wait3A_992 = arith.constant 1 : i32
        %dma_wait3A_993 = arith.constant 1 : i32
        %dma_wait3A_994 = arith.constant 150 : i32
        %dma_wait3A_995 = arith.constant 0 : i32
        %dma_wait3A_996 = tpu.memref_slice %arg6[%dma_wait3A_992, %dma_wait3A_994, %dma_wait3A_995] : memref<2x400x64xf32, #tpu.memory_space<vmem>> -> memref<1x50x64xf32, #tpu.memory_space<vmem>>
        %dma_wait3A_997 = tpu.memref_squeeze %dma_wait3A_996 : memref<1x50x64xf32, #tpu.memory_space<vmem>> -> memref<50x64xf32, #tpu.memory_space<vmem>>
        %dma_wait3A_998 = arith.constant 0 : i32
        %dma_wait3A_999 = arith.constant 0 : i32
        %dma_wait3A_1000 = tpu.memref_slice %arg4[%add3A_991, %dma_wait3A_998, %dma_wait3A_999] : memref<16384x50x64xf32, #tpu.memory_space<hbm>> -> memref<1x50x64xf32, #tpu.memory_space<hbm>>
        %dma_wait3A_1001 = tpu.memref_squeeze %dma_wait3A_1000 : memref<1x50x64xf32, #tpu.memory_space<hbm>> -> memref<50x64xf32, #tpu.memory_space<hbm>>
        %dma_wait3A_1002 = tpu.memref_slice %arg8[%dma_wait3A_993] : memref<2x!tpu.dma_semaphore, #tpu.memory_space<semaphore_mem>> -> memref<1x!tpu.dma_semaphore, #tpu.memory_space<semaphore_mem>>
        %dma_wait3A_1003 = tpu.memref_squeeze %dma_wait3A_1002 : memref<1x!tpu.dma_semaphore, #tpu.memory_space<semaphore_mem>> -> memref<!tpu.dma_semaphore, #tpu.memory_space<semaphore_mem>>
        %dma_wait3A_1004 = arith.constant 0 : i32
        %dma_wait3A_1005 = arith.constant 0 : i32
        %dma_wait3A_1006 = tpu.memref_slice %arg4[%add3A_991, %dma_wait3A_1004, %dma_wait3A_1005] : memref<16384x50x64xf32, #tpu.memory_space<hbm>> -> memref<1x50x64xf32, #tpu.memory_space<hbm>>
        %dma_wait3A_1007 = tpu.memref_squeeze %dma_wait3A_1006 : memref<1x50x64xf32, #tpu.memory_space<hbm>> -> memref<50x64xf32, #tpu.memory_space<hbm>>
        %dma_wait3A_1008 = arith.constant 150 : i32
        %dma_wait3A_1009 = arith.constant 0 : i32
        %dma_wait3A_1010 = tpu.memref_slice %arg6[%dma_wait3A_992, %dma_wait3A_1008, %dma_wait3A_1009] : memref<2x400x64xf32, #tpu.memory_space<vmem>> -> memref<1x50x64xf32, #tpu.memory_space<vmem>>
        %dma_wait3A_1011 = tpu.memref_squeeze %dma_wait3A_1010 : memref<1x50x64xf32, #tpu.memory_space<vmem>> -> memref<50x64xf32, #tpu.memory_space<vmem>>
        tpu.wait_dma2 semaphore(%dma_wait3A_1003 : memref<!tpu.dma_semaphore, #tpu.memory_space<semaphore_mem>>) src(%dma_wait3A_1011 : memref<50x64xf32, #tpu.memory_space<vmem>>) dst(%dma_wait3A_1007 : memref<50x64xf32, #tpu.memory_space<hbm>>)
        %mul3A_1012 = arith.constant 512 : i32
        %mul3A_1013 = arith.muli %add3A, %mul3A_1012 : i32
        %mul3A_1014 = arith.constant 8 : i32
        %mul3A_1015 = arith.muli %add3A_678, %mul3A_1014 : i32
        %add3A_1016 = arith.addi %mul3A_1013, %mul3A_1015 : i32
        %add3A_1017 = arith.constant 4 : i32
        %add3A_1018 = arith.addi %add3A_1016, %add3A_1017 : i32
        %dma_wait3A_1019 = arith.constant 1 : i32
        %dma_wait3A_1020 = arith.constant 1 : i32
        %dma_wait3A_1021 = arith.constant 200 : i32
        %dma_wait3A_1022 = arith.constant 0 : i32
        %dma_wait3A_1023 = tpu.memref_slice %arg6[%dma_wait3A_1019, %dma_wait3A_1021, %dma_wait3A_1022] : memref<2x400x64xf32, #tpu.memory_space<vmem>> -> memref<1x50x64xf32, #tpu.memory_space<vmem>>
        %dma_wait3A_1024 = tpu.memref_squeeze %dma_wait3A_1023 : memref<1x50x64xf32, #tpu.memory_space<vmem>> -> memref<50x64xf32, #tpu.memory_space<vmem>>
        %dma_wait3A_1025 = arith.constant 0 : i32
        %dma_wait3A_1026 = arith.constant 0 : i32
        %dma_wait3A_1027 = tpu.memref_slice %arg4[%add3A_1018, %dma_wait3A_1025, %dma_wait3A_1026] : memref<16384x50x64xf32, #tpu.memory_space<hbm>> -> memref<1x50x64xf32, #tpu.memory_space<hbm>>
        %dma_wait3A_1028 = tpu.memref_squeeze %dma_wait3A_1027 : memref<1x50x64xf32, #tpu.memory_space<hbm>> -> memref<50x64xf32, #tpu.memory_space<hbm>>
        %dma_wait3A_1029 = tpu.memref_slice %arg8[%dma_wait3A_1020] : memref<2x!tpu.dma_semaphore, #tpu.memory_space<semaphore_mem>> -> memref<1x!tpu.dma_semaphore, #tpu.memory_space<semaphore_mem>>
        %dma_wait3A_1030 = tpu.memref_squeeze %dma_wait3A_1029 : memref<1x!tpu.dma_semaphore, #tpu.memory_space<semaphore_mem>> -> memref<!tpu.dma_semaphore, #tpu.memory_space<semaphore_mem>>
        %dma_wait3A_1031 = arith.constant 0 : i32
        %dma_wait3A_1032 = arith.constant 0 : i32
        %dma_wait3A_1033 = tpu.memref_slice %arg4[%add3A_1018, %dma_wait3A_1031, %dma_wait3A_1032] : memref<16384x50x64xf32, #tpu.memory_space<hbm>> -> memref<1x50x64xf32, #tpu.memory_space<hbm>>
        %dma_wait3A_1034 = tpu.memref_squeeze %dma_wait3A_1033 : memref<1x50x64xf32, #tpu.memory_space<hbm>> -> memref<50x64xf32, #tpu.memory_space<hbm>>
        %dma_wait3A_1035 = arith.constant 200 : i32
        %dma_wait3A_1036 = arith.constant 0 : i32
        %dma_wait3A_1037 = tpu.memref_slice %arg6[%dma_wait3A_1019, %dma_wait3A_1035, %dma_wait3A_1036] : memref<2x400x64xf32, #tpu.memory_space<vmem>> -> memref<1x50x64xf32, #tpu.memory_space<vmem>>
        %dma_wait3A_1038 = tpu.memref_squeeze %dma_wait3A_1037 : memref<1x50x64xf32, #tpu.memory_space<vmem>> -> memref<50x64xf32, #tpu.memory_space<vmem>>
        tpu.wait_dma2 semaphore(%dma_wait3A_1030 : memref<!tpu.dma_semaphore, #tpu.memory_space<semaphore_mem>>) src(%dma_wait3A_1038 : memref<50x64xf32, #tpu.memory_space<vmem>>) dst(%dma_wait3A_1034 : memref<50x64xf32, #tpu.memory_space<hbm>>)
        %mul3A_1039 = arith.constant 512 : i32
        %mul3A_1040 = arith.muli %add3A, %mul3A_1039 : i32
        %mul3A_1041 = arith.constant 8 : i32
        %mul3A_1042 = arith.muli %add3A_678, %mul3A_1041 : i32
        %add3A_1043 = arith.addi %mul3A_1040, %mul3A_1042 : i32
        %add3A_1044 = arith.constant 5 : i32
        %add3A_1045 = arith.addi %add3A_1043, %add3A_1044 : i32
        %dma_wait3A_1046 = arith.constant 1 : i32
        %dma_wait3A_1047 = arith.constant 1 : i32
        %dma_wait3A_1048 = arith.constant 250 : i32
        %dma_wait3A_1049 = arith.constant 0 : i32
        %dma_wait3A_1050 = tpu.memref_slice %arg6[%dma_wait3A_1046, %dma_wait3A_1048, %dma_wait3A_1049] : memref<2x400x64xf32, #tpu.memory_space<vmem>> -> memref<1x50x64xf32, #tpu.memory_space<vmem>>
        %dma_wait3A_1051 = tpu.memref_squeeze %dma_wait3A_1050 : memref<1x50x64xf32, #tpu.memory_space<vmem>> -> memref<50x64xf32, #tpu.memory_space<vmem>>
        %dma_wait3A_1052 = arith.constant 0 : i32
        %dma_wait3A_1053 = arith.constant 0 : i32
        %dma_wait3A_1054 = tpu.memref_slice %arg4[%add3A_1045, %dma_wait3A_1052, %dma_wait3A_1053] : memref<16384x50x64xf32, #tpu.memory_space<hbm>> -> memref<1x50x64xf32, #tpu.memory_space<hbm>>
        %dma_wait3A_1055 = tpu.memref_squeeze %dma_wait3A_1054 : memref<1x50x64xf32, #tpu.memory_space<hbm>> -> memref<50x64xf32, #tpu.memory_space<hbm>>
        %dma_wait3A_1056 = tpu.memref_slice %arg8[%dma_wait3A_1047] : memref<2x!tpu.dma_semaphore, #tpu.memory_space<semaphore_mem>> -> memref<1x!tpu.dma_semaphore, #tpu.memory_space<semaphore_mem>>
        %dma_wait3A_1057 = tpu.memref_squeeze %dma_wait3A_1056 : memref<1x!tpu.dma_semaphore, #tpu.memory_space<semaphore_mem>> -> memref<!tpu.dma_semaphore, #tpu.memory_space<semaphore_mem>>
        %dma_wait3A_1058 = arith.constant 0 : i32
        %dma_wait3A_1059 = arith.constant 0 : i32
        %dma_wait3A_1060 = tpu.memref_slice %arg4[%add3A_1045, %dma_wait3A_1058, %dma_wait3A_1059] : memref<16384x50x64xf32, #tpu.memory_space<hbm>> -> memref<1x50x64xf32, #tpu.memory_space<hbm>>
        %dma_wait3A_1061 = tpu.memref_squeeze %dma_wait3A_1060 : memref<1x50x64xf32, #tpu.memory_space<hbm>> -> memref<50x64xf32, #tpu.memory_space<hbm>>
        %dma_wait3A_1062 = arith.constant 250 : i32
        %dma_wait3A_1063 = arith.constant 0 : i32
        %dma_wait3A_1064 = tpu.memref_slice %arg6[%dma_wait3A_1046, %dma_wait3A_1062, %dma_wait3A_1063] : memref<2x400x64xf32, #tpu.memory_space<vmem>> -> memref<1x50x64xf32, #tpu.memory_space<vmem>>
        %dma_wait3A_1065 = tpu.memref_squeeze %dma_wait3A_1064 : memref<1x50x64xf32, #tpu.memory_space<vmem>> -> memref<50x64xf32, #tpu.memory_space<vmem>>
        tpu.wait_dma2 semaphore(%dma_wait3A_1057 : memref<!tpu.dma_semaphore, #tpu.memory_space<semaphore_mem>>) src(%dma_wait3A_1065 : memref<50x64xf32, #tpu.memory_space<vmem>>) dst(%dma_wait3A_1061 : memref<50x64xf32, #tpu.memory_space<hbm>>)
        %mul3A_1066 = arith.constant 512 : i32
        %mul3A_1067 = arith.muli %add3A, %mul3A_1066 : i32
        %mul3A_1068 = arith.constant 8 : i32
        %mul3A_1069 = arith.muli %add3A_678, %mul3A_1068 : i32
        %add3A_1070 = arith.addi %mul3A_1067, %mul3A_1069 : i32
        %add3A_1071 = arith.constant 6 : i32
        %add3A_1072 = arith.addi %add3A_1070, %add3A_1071 : i32
        %dma_wait3A_1073 = arith.constant 1 : i32
        %dma_wait3A_1074 = arith.constant 1 : i32
        %dma_wait3A_1075 = arith.constant 300 : i32
        %dma_wait3A_1076 = arith.constant 0 : i32
        %dma_wait3A_1077 = tpu.memref_slice %arg6[%dma_wait3A_1073, %dma_wait3A_1075, %dma_wait3A_1076] : memref<2x400x64xf32, #tpu.memory_space<vmem>> -> memref<1x50x64xf32, #tpu.memory_space<vmem>>
        %dma_wait3A_1078 = tpu.memref_squeeze %dma_wait3A_1077 : memref<1x50x64xf32, #tpu.memory_space<vmem>> -> memref<50x64xf32, #tpu.memory_space<vmem>>
        %dma_wait3A_1079 = arith.constant 0 : i32
        %dma_wait3A_1080 = arith.constant 0 : i32
        %dma_wait3A_1081 = tpu.memref_slice %arg4[%add3A_1072, %dma_wait3A_1079, %dma_wait3A_1080] : memref<16384x50x64xf32, #tpu.memory_space<hbm>> -> memref<1x50x64xf32, #tpu.memory_space<hbm>>
        %dma_wait3A_1082 = tpu.memref_squeeze %dma_wait3A_1081 : memref<1x50x64xf32, #tpu.memory_space<hbm>> -> memref<50x64xf32, #tpu.memory_space<hbm>>
        %dma_wait3A_1083 = tpu.memref_slice %arg8[%dma_wait3A_1074] : memref<2x!tpu.dma_semaphore, #tpu.memory_space<semaphore_mem>> -> memref<1x!tpu.dma_semaphore, #tpu.memory_space<semaphore_mem>>
        %dma_wait3A_1084 = tpu.memref_squeeze %dma_wait3A_1083 : memref<1x!tpu.dma_semaphore, #tpu.memory_space<semaphore_mem>> -> memref<!tpu.dma_semaphore, #tpu.memory_space<semaphore_mem>>
        %dma_wait3A_1085 = arith.constant 0 : i32
        %dma_wait3A_1086 = arith.constant 0 : i32
        %dma_wait3A_1087 = tpu.memref_slice %arg4[%add3A_1072, %dma_wait3A_1085, %dma_wait3A_1086] : memref<16384x50x64xf32, #tpu.memory_space<hbm>> -> memref<1x50x64xf32, #tpu.memory_space<hbm>>
        %dma_wait3A_1088 = tpu.memref_squeeze %dma_wait3A_1087 : memref<1x50x64xf32, #tpu.memory_space<hbm>> -> memref<50x64xf32, #tpu.memory_space<hbm>>
        %dma_wait3A_1089 = arith.constant 300 : i32
        %dma_wait3A_1090 = arith.constant 0 : i32
        %dma_wait3A_1091 = tpu.memref_slice %arg6[%dma_wait3A_1073, %dma_wait3A_1089, %dma_wait3A_1090] : memref<2x400x64xf32, #tpu.memory_space<vmem>> -> memref<1x50x64xf32, #tpu.memory_space<vmem>>
        %dma_wait3A_1092 = tpu.memref_squeeze %dma_wait3A_1091 : memref<1x50x64xf32, #tpu.memory_space<vmem>> -> memref<50x64xf32, #tpu.memory_space<vmem>>
        tpu.wait_dma2 semaphore(%dma_wait3A_1084 : memref<!tpu.dma_semaphore, #tpu.memory_space<semaphore_mem>>) src(%dma_wait3A_1092 : memref<50x64xf32, #tpu.memory_space<vmem>>) dst(%dma_wait3A_1088 : memref<50x64xf32, #tpu.memory_space<hbm>>)
        %mul3A_1093 = arith.constant 512 : i32
        %mul3A_1094 = arith.muli %add3A, %mul3A_1093 : i32
        %mul3A_1095 = arith.constant 8 : i32
        %mul3A_1096 = arith.muli %add3A_678, %mul3A_1095 : i32
        %add3A_1097 = arith.addi %mul3A_1094, %mul3A_1096 : i32
        %add3A_1098 = arith.constant 7 : i32
        %add3A_1099 = arith.addi %add3A_1097, %add3A_1098 : i32
        %dma_wait3A_1100 = arith.constant 1 : i32
        %dma_wait3A_1101 = arith.constant 1 : i32
        %dma_wait3A_1102 = arith.constant 350 : i32
        %dma_wait3A_1103 = arith.constant 0 : i32
        %dma_wait3A_1104 = tpu.memref_slice %arg6[%dma_wait3A_1100, %dma_wait3A_1102, %dma_wait3A_1103] : memref<2x400x64xf32, #tpu.memory_space<vmem>> -> memref<1x50x64xf32, #tpu.memory_space<vmem>>
        %dma_wait3A_1105 = tpu.memref_squeeze %dma_wait3A_1104 : memref<1x50x64xf32, #tpu.memory_space<vmem>> -> memref<50x64xf32, #tpu.memory_space<vmem>>
        %dma_wait3A_1106 = arith.constant 0 : i32
        %dma_wait3A_1107 = arith.constant 0 : i32
        %dma_wait3A_1108 = tpu.memref_slice %arg4[%add3A_1099, %dma_wait3A_1106, %dma_wait3A_1107] : memref<16384x50x64xf32, #tpu.memory_space<hbm>> -> memref<1x50x64xf32, #tpu.memory_space<hbm>>
        %dma_wait3A_1109 = tpu.memref_squeeze %dma_wait3A_1108 : memref<1x50x64xf32, #tpu.memory_space<hbm>> -> memref<50x64xf32, #tpu.memory_space<hbm>>
        %dma_wait3A_1110 = tpu.memref_slice %arg8[%dma_wait3A_1101] : memref<2x!tpu.dma_semaphore, #tpu.memory_space<semaphore_mem>> -> memref<1x!tpu.dma_semaphore, #tpu.memory_space<semaphore_mem>>
        %dma_wait3A_1111 = tpu.memref_squeeze %dma_wait3A_1110 : memref<1x!tpu.dma_semaphore, #tpu.memory_space<semaphore_mem>> -> memref<!tpu.dma_semaphore, #tpu.memory_space<semaphore_mem>>
        %dma_wait3A_1112 = arith.constant 0 : i32
        %dma_wait3A_1113 = arith.constant 0 : i32
        %dma_wait3A_1114 = tpu.memref_slice %arg4[%add3A_1099, %dma_wait3A_1112, %dma_wait3A_1113] : memref<16384x50x64xf32, #tpu.memory_space<hbm>> -> memref<1x50x64xf32, #tpu.memory_space<hbm>>
        %dma_wait3A_1115 = tpu.memref_squeeze %dma_wait3A_1114 : memref<1x50x64xf32, #tpu.memory_space<hbm>> -> memref<50x64xf32, #tpu.memory_space<hbm>>
        %dma_wait3A_1116 = arith.constant 350 : i32
        %dma_wait3A_1117 = arith.constant 0 : i32
        %dma_wait3A_1118 = tpu.memref_slice %arg6[%dma_wait3A_1100, %dma_wait3A_1116, %dma_wait3A_1117] : memref<2x400x64xf32, #tpu.memory_space<vmem>> -> memref<1x50x64xf32, #tpu.memory_space<vmem>>
        %dma_wait3A_1119 = tpu.memref_squeeze %dma_wait3A_1118 : memref<1x50x64xf32, #tpu.memory_space<vmem>> -> memref<50x64xf32, #tpu.memory_space<vmem>>
        tpu.wait_dma2 semaphore(%dma_wait3A_1111 : memref<!tpu.dma_semaphore, #tpu.memory_space<semaphore_mem>>) src(%dma_wait3A_1119 : memref<50x64xf32, #tpu.memory_space<vmem>>) dst(%dma_wait3A_1115 : memref<50x64xf32, #tpu.memory_space<hbm>>)
        %add3A_1120 = arith.constant 2 : i32
        %add3A_1121 = arith.addi %add3A_678, %add3A_1120 : i32
        %mul3A_1122 = arith.constant 400 : i32
        %mul3A_1123 = arith.muli %add3A_1121, %mul3A_1122 : i32
        %multiple_of3A_1124 = tpu.assume_multiple %mul3A_1123, 400 : i32
        %dma_start3A_1125 = arith.constant 1 : i32
        %dma_start3A_1126 = arith.constant 1 : i32
        %dma_start3A_1127 = arith.constant 0 : i32
        %dma_start3A_1128 = arith.constant 0 : i32
        %dma_start3A_1129 = tpu.memref_slice %arg6[%dma_start3A_1125, %dma_start3A_1127, %dma_start3A_1128] : memref<2x400x64xf32, #tpu.memory_space<vmem>> -> memref<1x400x64xf32, #tpu.memory_space<vmem>>
        %dma_start3A_1130 = tpu.memref_squeeze %dma_start3A_1129 : memref<1x400x64xf32, #tpu.memory_space<vmem>> -> memref<400x64xf32, #tpu.memory_space<vmem>>
        %dma_start3A_1131 = tpu.memref_slice %arg5[%multiple_of3A_1124] : memref<25600xi32, #tpu.memory_space<vmem>> -> memref<400xi32, #tpu.memory_space<vmem>>
        %dma_start3A_1132 = arith.constant 0 : i32
        %dma_start3A_1133 = arith.constant 0 : i32
        %dma_start3A_1134 = tpu.memref_slice %arg2[%dma_start3A_1132, %dma_start3A_1133] : memref<1000000x64xf32, #tpu.memory_space<hbm>> -> memref<1000000x64xf32, #tpu.memory_space<hbm>>
        %dma_start3A_1135 = tpu.memref_slice %arg7[%dma_start3A_1126] : memref<2x!tpu.dma_semaphore, #tpu.memory_space<semaphore_mem>> -> memref<1x!tpu.dma_semaphore, #tpu.memory_space<semaphore_mem>>
        %dma_start3A_1136 = tpu.memref_squeeze %dma_start3A_1135 : memref<1x!tpu.dma_semaphore, #tpu.memory_space<semaphore_mem>> -> memref<!tpu.dma_semaphore, #tpu.memory_space<semaphore_mem>>
        tpu.enqueue_indirect_dma source(%dma_start3A_1134 : memref<1000000x64xf32, #tpu.memory_space<hbm>>) target(%dma_start3A_1130 : memref<400x64xf32, #tpu.memory_space<vmem>>) offsets(%dma_start3A_1131 : memref<400xi32, #tpu.memory_space<vmem>>) semaphore(%dma_start3A_1136 : memref<!tpu.dma_semaphore, #tpu.memory_space<semaphore_mem>>)
      } else {
      }
      %scan3A_903 = arith.constant 0 : i32
      scf.yield %scan3A_903 : i32
    }
    %scan3A_34 = arith.constant 32 : i32
    %mul3A_35 = arith.constant 512 : i32
    %mul3A_36 = arith.muli %add3A, %mul3A_35 : i32
    %add3A_37 = arith.constant 496 : i32
    %add3A_38 = arith.addi %mul3A_36, %add3A_37 : i32
    %add3A_39 = arith.constant 0 : i32
    %add3A_40 = arith.addi %add3A_38, %add3A_39 : i32
    %dma_wait3A = arith.constant 0 : i32
    %dma_wait3A_41 = arith.constant 0 : i32
    %dma_wait3A_42 = arith.constant 0 : i32
    %dma_wait3A_43 = arith.constant 0 : i32
    %dma_wait3A_44 = tpu.memref_slice %arg6[%dma_wait3A, %dma_wait3A_42, %dma_wait3A_43] : memref<2x400x64xf32, #tpu.memory_space<vmem>> -> memref<1x50x64xf32, #tpu.memory_space<vmem>>
    %dma_wait3A_45 = tpu.memref_squeeze %dma_wait3A_44 : memref<1x50x64xf32, #tpu.memory_space<vmem>> -> memref<50x64xf32, #tpu.memory_space<vmem>>
    %dma_wait3A_46 = arith.constant 0 : i32
    %dma_wait3A_47 = arith.constant 0 : i32
    %dma_wait3A_48 = tpu.memref_slice %arg4[%add3A_40, %dma_wait3A_46, %dma_wait3A_47] : memref<16384x50x64xf32, #tpu.memory_space<hbm>> -> memref<1x50x64xf32, #tpu.memory_space<hbm>>
    %dma_wait3A_49 = tpu.memref_squeeze %dma_wait3A_48 : memref<1x50x64xf32, #tpu.memory_space<hbm>> -> memref<50x64xf32, #tpu.memory_space<hbm>>
    %dma_wait3A_50 = tpu.memref_slice %arg8[%dma_wait3A_41] : memref<2x!tpu.dma_semaphore, #tpu.memory_space<semaphore_mem>> -> memref<1x!tpu.dma_semaphore, #tpu.memory_space<semaphore_mem>>
    %dma_wait3A_51 = tpu.memref_squeeze %dma_wait3A_50 : memref<1x!tpu.dma_semaphore, #tpu.memory_space<semaphore_mem>> -> memref<!tpu.dma_semaphore, #tpu.memory_space<semaphore_mem>>
    %dma_wait3A_52 = arith.constant 0 : i32
    %dma_wait3A_53 = arith.constant 0 : i32
    %dma_wait3A_54 = tpu.memref_slice %arg4[%add3A_40, %dma_wait3A_52, %dma_wait3A_53] : memref<16384x50x64xf32, #tpu.memory_space<hbm>> -> memref<1x50x64xf32, #tpu.memory_space<hbm>>
    %dma_wait3A_55 = tpu.memref_squeeze %dma_wait3A_54 : memref<1x50x64xf32, #tpu.memory_space<hbm>> -> memref<50x64xf32, #tpu.memory_space<hbm>>
    %dma_wait3A_56 = arith.constant 0 : i32
    %dma_wait3A_57 = arith.constant 0 : i32
    %dma_wait3A_58 = tpu.memref_slice %arg6[%dma_wait3A, %dma_wait3A_56, %dma_wait3A_57] : memref<2x400x64xf32, #tpu.memory_space<vmem>> -> memref<1x50x64xf32, #tpu.memory_space<vmem>>
    %dma_wait3A_59 = tpu.memref_squeeze %dma_wait3A_58 : memref<1x50x64xf32, #tpu.memory_space<vmem>> -> memref<50x64xf32, #tpu.memory_space<vmem>>
    tpu.wait_dma2 semaphore(%dma_wait3A_51 : memref<!tpu.dma_semaphore, #tpu.memory_space<semaphore_mem>>) src(%dma_wait3A_59 : memref<50x64xf32, #tpu.memory_space<vmem>>) dst(%dma_wait3A_55 : memref<50x64xf32, #tpu.memory_space<hbm>>)
    %mul3A_60 = arith.constant 512 : i32
    %mul3A_61 = arith.muli %add3A, %mul3A_60 : i32
    %add3A_62 = arith.constant 496 : i32
    %add3A_63 = arith.addi %mul3A_61, %add3A_62 : i32
    %add3A_64 = arith.constant 1 : i32
    %add3A_65 = arith.addi %add3A_63, %add3A_64 : i32
    %dma_wait3A_66 = arith.constant 0 : i32
    %dma_wait3A_67 = arith.constant 0 : i32
    %dma_wait3A_68 = arith.constant 50 : i32
    %dma_wait3A_69 = arith.constant 0 : i32
    %dma_wait3A_70 = tpu.memref_slice %arg6[%dma_wait3A_66, %dma_wait3A_68, %dma_wait3A_69] : memref<2x400x64xf32, #tpu.memory_space<vmem>> -> memref<1x50x64xf32, #tpu.memory_space<vmem>>
    %dma_wait3A_71 = tpu.memref_squeeze %dma_wait3A_70 : memref<1x50x64xf32, #tpu.memory_space<vmem>> -> memref<50x64xf32, #tpu.memory_space<vmem>>
    %dma_wait3A_72 = arith.constant 0 : i32
    %dma_wait3A_73 = arith.constant 0 : i32
    %dma_wait3A_74 = tpu.memref_slice %arg4[%add3A_65, %dma_wait3A_72, %dma_wait3A_73] : memref<16384x50x64xf32, #tpu.memory_space<hbm>> -> memref<1x50x64xf32, #tpu.memory_space<hbm>>
    %dma_wait3A_75 = tpu.memref_squeeze %dma_wait3A_74 : memref<1x50x64xf32, #tpu.memory_space<hbm>> -> memref<50x64xf32, #tpu.memory_space<hbm>>
    %dma_wait3A_76 = tpu.memref_slice %arg8[%dma_wait3A_67] : memref<2x!tpu.dma_semaphore, #tpu.memory_space<semaphore_mem>> -> memref<1x!tpu.dma_semaphore, #tpu.memory_space<semaphore_mem>>
    %dma_wait3A_77 = tpu.memref_squeeze %dma_wait3A_76 : memref<1x!tpu.dma_semaphore, #tpu.memory_space<semaphore_mem>> -> memref<!tpu.dma_semaphore, #tpu.memory_space<semaphore_mem>>
    %dma_wait3A_78 = arith.constant 0 : i32
    %dma_wait3A_79 = arith.constant 0 : i32
    %dma_wait3A_80 = tpu.memref_slice %arg4[%add3A_65, %dma_wait3A_78, %dma_wait3A_79] : memref<16384x50x64xf32, #tpu.memory_space<hbm>> -> memref<1x50x64xf32, #tpu.memory_space<hbm>>
    %dma_wait3A_81 = tpu.memref_squeeze %dma_wait3A_80 : memref<1x50x64xf32, #tpu.memory_space<hbm>> -> memref<50x64xf32, #tpu.memory_space<hbm>>
    %dma_wait3A_82 = arith.constant 50 : i32
    %dma_wait3A_83 = arith.constant 0 : i32
    %dma_wait3A_84 = tpu.memref_slice %arg6[%dma_wait3A_66, %dma_wait3A_82, %dma_wait3A_83] : memref<2x400x64xf32, #tpu.memory_space<vmem>> -> memref<1x50x64xf32, #tpu.memory_space<vmem>>
    %dma_wait3A_85 = tpu.memref_squeeze %dma_wait3A_84 : memref<1x50x64xf32, #tpu.memory_space<vmem>> -> memref<50x64xf32, #tpu.memory_space<vmem>>
    tpu.wait_dma2 semaphore(%dma_wait3A_77 : memref<!tpu.dma_semaphore, #tpu.memory_space<semaphore_mem>>) src(%dma_wait3A_85 : memref<50x64xf32, #tpu.memory_space<vmem>>) dst(%dma_wait3A_81 : memref<50x64xf32, #tpu.memory_space<hbm>>)
    %mul3A_86 = arith.constant 512 : i32
    %mul3A_87 = arith.muli %add3A, %mul3A_86 : i32
    %add3A_88 = arith.constant 496 : i32
    %add3A_89 = arith.addi %mul3A_87, %add3A_88 : i32
    %add3A_90 = arith.constant 2 : i32
    %add3A_91 = arith.addi %add3A_89, %add3A_90 : i32
    %dma_wait3A_92 = arith.constant 0 : i32
    %dma_wait3A_93 = arith.constant 0 : i32
    %dma_wait3A_94 = arith.constant 100 : i32
    %dma_wait3A_95 = arith.constant 0 : i32
    %dma_wait3A_96 = tpu.memref_slice %arg6[%dma_wait3A_92, %dma_wait3A_94, %dma_wait3A_95] : memref<2x400x64xf32, #tpu.memory_space<vmem>> -> memref<1x50x64xf32, #tpu.memory_space<vmem>>
    %dma_wait3A_97 = tpu.memref_squeeze %dma_wait3A_96 : memref<1x50x64xf32, #tpu.memory_space<vmem>> -> memref<50x64xf32, #tpu.memory_space<vmem>>
    %dma_wait3A_98 = arith.constant 0 : i32
    %dma_wait3A_99 = arith.constant 0 : i32
    %dma_wait3A_100 = tpu.memref_slice %arg4[%add3A_91, %dma_wait3A_98, %dma_wait3A_99] : memref<16384x50x64xf32, #tpu.memory_space<hbm>> -> memref<1x50x64xf32, #tpu.memory_space<hbm>>
    %dma_wait3A_101 = tpu.memref_squeeze %dma_wait3A_100 : memref<1x50x64xf32, #tpu.memory_space<hbm>> -> memref<50x64xf32, #tpu.memory_space<hbm>>
    %dma_wait3A_102 = tpu.memref_slice %arg8[%dma_wait3A_93] : memref<2x!tpu.dma_semaphore, #tpu.memory_space<semaphore_mem>> -> memref<1x!tpu.dma_semaphore, #tpu.memory_space<semaphore_mem>>
    %dma_wait3A_103 = tpu.memref_squeeze %dma_wait3A_102 : memref<1x!tpu.dma_semaphore, #tpu.memory_space<semaphore_mem>> -> memref<!tpu.dma_semaphore, #tpu.memory_space<semaphore_mem>>
    %dma_wait3A_104 = arith.constant 0 : i32
    %dma_wait3A_105 = arith.constant 0 : i32
    %dma_wait3A_106 = tpu.memref_slice %arg4[%add3A_91, %dma_wait3A_104, %dma_wait3A_105] : memref<16384x50x64xf32, #tpu.memory_space<hbm>> -> memref<1x50x64xf32, #tpu.memory_space<hbm>>
    %dma_wait3A_107 = tpu.memref_squeeze %dma_wait3A_106 : memref<1x50x64xf32, #tpu.memory_space<hbm>> -> memref<50x64xf32, #tpu.memory_space<hbm>>
    %dma_wait3A_108 = arith.constant 100 : i32
    %dma_wait3A_109 = arith.constant 0 : i32
    %dma_wait3A_110 = tpu.memref_slice %arg6[%dma_wait3A_92, %dma_wait3A_108, %dma_wait3A_109] : memref<2x400x64xf32, #tpu.memory_space<vmem>> -> memref<1x50x64xf32, #tpu.memory_space<vmem>>
    %dma_wait3A_111 = tpu.memref_squeeze %dma_wait3A_110 : memref<1x50x64xf32, #tpu.memory_space<vmem>> -> memref<50x64xf32, #tpu.memory_space<vmem>>
    tpu.wait_dma2 semaphore(%dma_wait3A_103 : memref<!tpu.dma_semaphore, #tpu.memory_space<semaphore_mem>>) src(%dma_wait3A_111 : memref<50x64xf32, #tpu.memory_space<vmem>>) dst(%dma_wait3A_107 : memref<50x64xf32, #tpu.memory_space<hbm>>)
    %mul3A_112 = arith.constant 512 : i32
    %mul3A_113 = arith.muli %add3A, %mul3A_112 : i32
    %add3A_114 = arith.constant 496 : i32
    %add3A_115 = arith.addi %mul3A_113, %add3A_114 : i32
    %add3A_116 = arith.constant 3 : i32
    %add3A_117 = arith.addi %add3A_115, %add3A_116 : i32
    %dma_wait3A_118 = arith.constant 0 : i32
    %dma_wait3A_119 = arith.constant 0 : i32
    %dma_wait3A_120 = arith.constant 150 : i32
    %dma_wait3A_121 = arith.constant 0 : i32
    %dma_wait3A_122 = tpu.memref_slice %arg6[%dma_wait3A_118, %dma_wait3A_120, %dma_wait3A_121] : memref<2x400x64xf32, #tpu.memory_space<vmem>> -> memref<1x50x64xf32, #tpu.memory_space<vmem>>
    %dma_wait3A_123 = tpu.memref_squeeze %dma_wait3A_122 : memref<1x50x64xf32, #tpu.memory_space<vmem>> -> memref<50x64xf32, #tpu.memory_space<vmem>>
    %dma_wait3A_124 = arith.constant 0 : i32
    %dma_wait3A_125 = arith.constant 0 : i32
    %dma_wait3A_126 = tpu.memref_slice %arg4[%add3A_117, %dma_wait3A_124, %dma_wait3A_125] : memref<16384x50x64xf32, #tpu.memory_space<hbm>> -> memref<1x50x64xf32, #tpu.memory_space<hbm>>
    %dma_wait3A_127 = tpu.memref_squeeze %dma_wait3A_126 : memref<1x50x64xf32, #tpu.memory_space<hbm>> -> memref<50x64xf32, #tpu.memory_space<hbm>>
    %dma_wait3A_128 = tpu.memref_slice %arg8[%dma_wait3A_119] : memref<2x!tpu.dma_semaphore, #tpu.memory_space<semaphore_mem>> -> memref<1x!tpu.dma_semaphore, #tpu.memory_space<semaphore_mem>>
    %dma_wait3A_129 = tpu.memref_squeeze %dma_wait3A_128 : memref<1x!tpu.dma_semaphore, #tpu.memory_space<semaphore_mem>> -> memref<!tpu.dma_semaphore, #tpu.memory_space<semaphore_mem>>
    %dma_wait3A_130 = arith.constant 0 : i32
    %dma_wait3A_131 = arith.constant 0 : i32
    %dma_wait3A_132 = tpu.memref_slice %arg4[%add3A_117, %dma_wait3A_130, %dma_wait3A_131] : memref<16384x50x64xf32, #tpu.memory_space<hbm>> -> memref<1x50x64xf32, #tpu.memory_space<hbm>>
    %dma_wait3A_133 = tpu.memref_squeeze %dma_wait3A_132 : memref<1x50x64xf32, #tpu.memory_space<hbm>> -> memref<50x64xf32, #tpu.memory_space<hbm>>
    %dma_wait3A_134 = arith.constant 150 : i32
    %dma_wait3A_135 = arith.constant 0 : i32
    %dma_wait3A_136 = tpu.memref_slice %arg6[%dma_wait3A_118, %dma_wait3A_134, %dma_wait3A_135] : memref<2x400x64xf32, #tpu.memory_space<vmem>> -> memref<1x50x64xf32, #tpu.memory_space<vmem>>
    %dma_wait3A_137 = tpu.memref_squeeze %dma_wait3A_136 : memref<1x50x64xf32, #tpu.memory_space<vmem>> -> memref<50x64xf32, #tpu.memory_space<vmem>>
    tpu.wait_dma2 semaphore(%dma_wait3A_129 : memref<!tpu.dma_semaphore, #tpu.memory_space<semaphore_mem>>) src(%dma_wait3A_137 : memref<50x64xf32, #tpu.memory_space<vmem>>) dst(%dma_wait3A_133 : memref<50x64xf32, #tpu.memory_space<hbm>>)
    %mul3A_138 = arith.constant 512 : i32
    %mul3A_139 = arith.muli %add3A, %mul3A_138 : i32
    %add3A_140 = arith.constant 496 : i32
    %add3A_141 = arith.addi %mul3A_139, %add3A_140 : i32
    %add3A_142 = arith.constant 4 : i32
    %add3A_143 = arith.addi %add3A_141, %add3A_142 : i32
    %dma_wait3A_144 = arith.constant 0 : i32
    %dma_wait3A_145 = arith.constant 0 : i32
    %dma_wait3A_146 = arith.constant 200 : i32
    %dma_wait3A_147 = arith.constant 0 : i32
    %dma_wait3A_148 = tpu.memref_slice %arg6[%dma_wait3A_144, %dma_wait3A_146, %dma_wait3A_147] : memref<2x400x64xf32, #tpu.memory_space<vmem>> -> memref<1x50x64xf32, #tpu.memory_space<vmem>>
    %dma_wait3A_149 = tpu.memref_squeeze %dma_wait3A_148 : memref<1x50x64xf32, #tpu.memory_space<vmem>> -> memref<50x64xf32, #tpu.memory_space<vmem>>
    %dma_wait3A_150 = arith.constant 0 : i32
    %dma_wait3A_151 = arith.constant 0 : i32
    %dma_wait3A_152 = tpu.memref_slice %arg4[%add3A_143, %dma_wait3A_150, %dma_wait3A_151] : memref<16384x50x64xf32, #tpu.memory_space<hbm>> -> memref<1x50x64xf32, #tpu.memory_space<hbm>>
    %dma_wait3A_153 = tpu.memref_squeeze %dma_wait3A_152 : memref<1x50x64xf32, #tpu.memory_space<hbm>> -> memref<50x64xf32, #tpu.memory_space<hbm>>
    %dma_wait3A_154 = tpu.memref_slice %arg8[%dma_wait3A_145] : memref<2x!tpu.dma_semaphore, #tpu.memory_space<semaphore_mem>> -> memref<1x!tpu.dma_semaphore, #tpu.memory_space<semaphore_mem>>
    %dma_wait3A_155 = tpu.memref_squeeze %dma_wait3A_154 : memref<1x!tpu.dma_semaphore, #tpu.memory_space<semaphore_mem>> -> memref<!tpu.dma_semaphore, #tpu.memory_space<semaphore_mem>>
    %dma_wait3A_156 = arith.constant 0 : i32
    %dma_wait3A_157 = arith.constant 0 : i32
    %dma_wait3A_158 = tpu.memref_slice %arg4[%add3A_143, %dma_wait3A_156, %dma_wait3A_157] : memref<16384x50x64xf32, #tpu.memory_space<hbm>> -> memref<1x50x64xf32, #tpu.memory_space<hbm>>
    %dma_wait3A_159 = tpu.memref_squeeze %dma_wait3A_158 : memref<1x50x64xf32, #tpu.memory_space<hbm>> -> memref<50x64xf32, #tpu.memory_space<hbm>>
    %dma_wait3A_160 = arith.constant 200 : i32
    %dma_wait3A_161 = arith.constant 0 : i32
    %dma_wait3A_162 = tpu.memref_slice %arg6[%dma_wait3A_144, %dma_wait3A_160, %dma_wait3A_161] : memref<2x400x64xf32, #tpu.memory_space<vmem>> -> memref<1x50x64xf32, #tpu.memory_space<vmem>>
    %dma_wait3A_163 = tpu.memref_squeeze %dma_wait3A_162 : memref<1x50x64xf32, #tpu.memory_space<vmem>> -> memref<50x64xf32, #tpu.memory_space<vmem>>
    tpu.wait_dma2 semaphore(%dma_wait3A_155 : memref<!tpu.dma_semaphore, #tpu.memory_space<semaphore_mem>>) src(%dma_wait3A_163 : memref<50x64xf32, #tpu.memory_space<vmem>>) dst(%dma_wait3A_159 : memref<50x64xf32, #tpu.memory_space<hbm>>)
    %mul3A_164 = arith.constant 512 : i32
    %mul3A_165 = arith.muli %add3A, %mul3A_164 : i32
    %add3A_166 = arith.constant 496 : i32
    %add3A_167 = arith.addi %mul3A_165, %add3A_166 : i32
    %add3A_168 = arith.constant 5 : i32
    %add3A_169 = arith.addi %add3A_167, %add3A_168 : i32
    %dma_wait3A_170 = arith.constant 0 : i32
    %dma_wait3A_171 = arith.constant 0 : i32
    %dma_wait3A_172 = arith.constant 250 : i32
    %dma_wait3A_173 = arith.constant 0 : i32
    %dma_wait3A_174 = tpu.memref_slice %arg6[%dma_wait3A_170, %dma_wait3A_172, %dma_wait3A_173] : memref<2x400x64xf32, #tpu.memory_space<vmem>> -> memref<1x50x64xf32, #tpu.memory_space<vmem>>
    %dma_wait3A_175 = tpu.memref_squeeze %dma_wait3A_174 : memref<1x50x64xf32, #tpu.memory_space<vmem>> -> memref<50x64xf32, #tpu.memory_space<vmem>>
    %dma_wait3A_176 = arith.constant 0 : i32
    %dma_wait3A_177 = arith.constant 0 : i32
    %dma_wait3A_178 = tpu.memref_slice %arg4[%add3A_169, %dma_wait3A_176, %dma_wait3A_177] : memref<16384x50x64xf32, #tpu.memory_space<hbm>> -> memref<1x50x64xf32, #tpu.memory_space<hbm>>
    %dma_wait3A_179 = tpu.memref_squeeze %dma_wait3A_178 : memref<1x50x64xf32, #tpu.memory_space<hbm>> -> memref<50x64xf32, #tpu.memory_space<hbm>>
    %dma_wait3A_180 = tpu.memref_slice %arg8[%dma_wait3A_171] : memref<2x!tpu.dma_semaphore, #tpu.memory_space<semaphore_mem>> -> memref<1x!tpu.dma_semaphore, #tpu.memory_space<semaphore_mem>>
    %dma_wait3A_181 = tpu.memref_squeeze %dma_wait3A_180 : memref<1x!tpu.dma_semaphore, #tpu.memory_space<semaphore_mem>> -> memref<!tpu.dma_semaphore, #tpu.memory_space<semaphore_mem>>
    %dma_wait3A_182 = arith.constant 0 : i32
    %dma_wait3A_183 = arith.constant 0 : i32
    %dma_wait3A_184 = tpu.memref_slice %arg4[%add3A_169, %dma_wait3A_182, %dma_wait3A_183] : memref<16384x50x64xf32, #tpu.memory_space<hbm>> -> memref<1x50x64xf32, #tpu.memory_space<hbm>>
    %dma_wait3A_185 = tpu.memref_squeeze %dma_wait3A_184 : memref<1x50x64xf32, #tpu.memory_space<hbm>> -> memref<50x64xf32, #tpu.memory_space<hbm>>
    %dma_wait3A_186 = arith.constant 250 : i32
    %dma_wait3A_187 = arith.constant 0 : i32
    %dma_wait3A_188 = tpu.memref_slice %arg6[%dma_wait3A_170, %dma_wait3A_186, %dma_wait3A_187] : memref<2x400x64xf32, #tpu.memory_space<vmem>> -> memref<1x50x64xf32, #tpu.memory_space<vmem>>
    %dma_wait3A_189 = tpu.memref_squeeze %dma_wait3A_188 : memref<1x50x64xf32, #tpu.memory_space<vmem>> -> memref<50x64xf32, #tpu.memory_space<vmem>>
    tpu.wait_dma2 semaphore(%dma_wait3A_181 : memref<!tpu.dma_semaphore, #tpu.memory_space<semaphore_mem>>) src(%dma_wait3A_189 : memref<50x64xf32, #tpu.memory_space<vmem>>) dst(%dma_wait3A_185 : memref<50x64xf32, #tpu.memory_space<hbm>>)
    %mul3A_190 = arith.constant 512 : i32
    %mul3A_191 = arith.muli %add3A, %mul3A_190 : i32
    %add3A_192 = arith.constant 496 : i32
    %add3A_193 = arith.addi %mul3A_191, %add3A_192 : i32
    %add3A_194 = arith.constant 6 : i32
    %add3A_195 = arith.addi %add3A_193, %add3A_194 : i32
    %dma_wait3A_196 = arith.constant 0 : i32
    %dma_wait3A_197 = arith.constant 0 : i32
    %dma_wait3A_198 = arith.constant 300 : i32
    %dma_wait3A_199 = arith.constant 0 : i32
    %dma_wait3A_200 = tpu.memref_slice %arg6[%dma_wait3A_196, %dma_wait3A_198, %dma_wait3A_199] : memref<2x400x64xf32, #tpu.memory_space<vmem>> -> memref<1x50x64xf32, #tpu.memory_space<vmem>>
    %dma_wait3A_201 = tpu.memref_squeeze %dma_wait3A_200 : memref<1x50x64xf32, #tpu.memory_space<vmem>> -> memref<50x64xf32, #tpu.memory_space<vmem>>
    %dma_wait3A_202 = arith.constant 0 : i32
    %dma_wait3A_203 = arith.constant 0 : i32
    %dma_wait3A_204 = tpu.memref_slice %arg4[%add3A_195, %dma_wait3A_202, %dma_wait3A_203] : memref<16384x50x64xf32, #tpu.memory_space<hbm>> -> memref<1x50x64xf32, #tpu.memory_space<hbm>>
    %dma_wait3A_205 = tpu.memref_squeeze %dma_wait3A_204 : memref<1x50x64xf32, #tpu.memory_space<hbm>> -> memref<50x64xf32, #tpu.memory_space<hbm>>
    %dma_wait3A_206 = tpu.memref_slice %arg8[%dma_wait3A_197] : memref<2x!tpu.dma_semaphore, #tpu.memory_space<semaphore_mem>> -> memref<1x!tpu.dma_semaphore, #tpu.memory_space<semaphore_mem>>
    %dma_wait3A_207 = tpu.memref_squeeze %dma_wait3A_206 : memref<1x!tpu.dma_semaphore, #tpu.memory_space<semaphore_mem>> -> memref<!tpu.dma_semaphore, #tpu.memory_space<semaphore_mem>>
    %dma_wait3A_208 = arith.constant 0 : i32
    %dma_wait3A_209 = arith.constant 0 : i32
    %dma_wait3A_210 = tpu.memref_slice %arg4[%add3A_195, %dma_wait3A_208, %dma_wait3A_209] : memref<16384x50x64xf32, #tpu.memory_space<hbm>> -> memref<1x50x64xf32, #tpu.memory_space<hbm>>
    %dma_wait3A_211 = tpu.memref_squeeze %dma_wait3A_210 : memref<1x50x64xf32, #tpu.memory_space<hbm>> -> memref<50x64xf32, #tpu.memory_space<hbm>>
    %dma_wait3A_212 = arith.constant 300 : i32
    %dma_wait3A_213 = arith.constant 0 : i32
    %dma_wait3A_214 = tpu.memref_slice %arg6[%dma_wait3A_196, %dma_wait3A_212, %dma_wait3A_213] : memref<2x400x64xf32, #tpu.memory_space<vmem>> -> memref<1x50x64xf32, #tpu.memory_space<vmem>>
    %dma_wait3A_215 = tpu.memref_squeeze %dma_wait3A_214 : memref<1x50x64xf32, #tpu.memory_space<vmem>> -> memref<50x64xf32, #tpu.memory_space<vmem>>
    tpu.wait_dma2 semaphore(%dma_wait3A_207 : memref<!tpu.dma_semaphore, #tpu.memory_space<semaphore_mem>>) src(%dma_wait3A_215 : memref<50x64xf32, #tpu.memory_space<vmem>>) dst(%dma_wait3A_211 : memref<50x64xf32, #tpu.memory_space<hbm>>)
    %mul3A_216 = arith.constant 512 : i32
    %mul3A_217 = arith.muli %add3A, %mul3A_216 : i32
    %add3A_218 = arith.constant 496 : i32
    %add3A_219 = arith.addi %mul3A_217, %add3A_218 : i32
    %add3A_220 = arith.constant 7 : i32
    %add3A_221 = arith.addi %add3A_219, %add3A_220 : i32
    %dma_wait3A_222 = arith.constant 0 : i32
    %dma_wait3A_223 = arith.constant 0 : i32
    %dma_wait3A_224 = arith.constant 350 : i32
    %dma_wait3A_225 = arith.constant 0 : i32
    %dma_wait3A_226 = tpu.memref_slice %arg6[%dma_wait3A_222, %dma_wait3A_224, %dma_wait3A_225] : memref<2x400x64xf32, #tpu.memory_space<vmem>> -> memref<1x50x64xf32, #tpu.memory_space<vmem>>
    %dma_wait3A_227 = tpu.memref_squeeze %dma_wait3A_226 : memref<1x50x64xf32, #tpu.memory_space<vmem>> -> memref<50x64xf32, #tpu.memory_space<vmem>>
    %dma_wait3A_228 = arith.constant 0 : i32
    %dma_wait3A_229 = arith.constant 0 : i32
    %dma_wait3A_230 = tpu.memref_slice %arg4[%add3A_221, %dma_wait3A_228, %dma_wait3A_229] : memref<16384x50x64xf32, #tpu.memory_space<hbm>> -> memref<1x50x64xf32, #tpu.memory_space<hbm>>
    %dma_wait3A_231 = tpu.memref_squeeze %dma_wait3A_230 : memref<1x50x64xf32, #tpu.memory_space<hbm>> -> memref<50x64xf32, #tpu.memory_space<hbm>>
    %dma_wait3A_232 = tpu.memref_slice %arg8[%dma_wait3A_223] : memref<2x!tpu.dma_semaphore, #tpu.memory_space<semaphore_mem>> -> memref<1x!tpu.dma_semaphore, #tpu.memory_space<semaphore_mem>>
    %dma_wait3A_233 = tpu.memref_squeeze %dma_wait3A_232 : memref<1x!tpu.dma_semaphore, #tpu.memory_space<semaphore_mem>> -> memref<!tpu.dma_semaphore, #tpu.memory_space<semaphore_mem>>
    %dma_wait3A_234 = arith.constant 0 : i32
    %dma_wait3A_235 = arith.constant 0 : i32
    %dma_wait3A_236 = tpu.memref_slice %arg4[%add3A_221, %dma_wait3A_234, %dma_wait3A_235] : memref<16384x50x64xf32, #tpu.memory_space<hbm>> -> memref<1x50x64xf32, #tpu.memory_space<hbm>>
    %dma_wait3A_237 = tpu.memref_squeeze %dma_wait3A_236 : memref<1x50x64xf32, #tpu.memory_space<hbm>> -> memref<50x64xf32, #tpu.memory_space<hbm>>
    %dma_wait3A_238 = arith.constant 350 : i32
    %dma_wait3A_239 = arith.constant 0 : i32
    %dma_wait3A_240 = tpu.memref_slice %arg6[%dma_wait3A_222, %dma_wait3A_238, %dma_wait3A_239] : memref<2x400x64xf32, #tpu.memory_space<vmem>> -> memref<1x50x64xf32, #tpu.memory_space<vmem>>
    %dma_wait3A_241 = tpu.memref_squeeze %dma_wait3A_240 : memref<1x50x64xf32, #tpu.memory_space<vmem>> -> memref<50x64xf32, #tpu.memory_space<vmem>>
    tpu.wait_dma2 semaphore(%dma_wait3A_233 : memref<!tpu.dma_semaphore, #tpu.memory_space<semaphore_mem>>) src(%dma_wait3A_241 : memref<50x64xf32, #tpu.memory_space<vmem>>) dst(%dma_wait3A_237 : memref<50x64xf32, #tpu.memory_space<hbm>>)
    %mul3A_242 = arith.constant 512 : i32
    %mul3A_243 = arith.muli %add3A, %mul3A_242 : i32
    %add3A_244 = arith.constant 504 : i32
    %add3A_245 = arith.addi %mul3A_243, %add3A_244 : i32
    %add3A_246 = arith.constant 0 : i32
    %add3A_247 = arith.addi %add3A_245, %add3A_246 : i32
    %dma_wait3A_248 = arith.constant 1 : i32
    %dma_wait3A_249 = arith.constant 1 : i32
    %dma_wait3A_250 = arith.constant 0 : i32
    %dma_wait3A_251 = arith.constant 0 : i32
    %dma_wait3A_252 = tpu.memref_slice %arg6[%dma_wait3A_248, %dma_wait3A_250, %dma_wait3A_251] : memref<2x400x64xf32, #tpu.memory_space<vmem>> -> memref<1x50x64xf32, #tpu.memory_space<vmem>>
    %dma_wait3A_253 = tpu.memref_squeeze %dma_wait3A_252 : memref<1x50x64xf32, #tpu.memory_space<vmem>> -> memref<50x64xf32, #tpu.memory_space<vmem>>
    %dma_wait3A_254 = arith.constant 0 : i32
    %dma_wait3A_255 = arith.constant 0 : i32
    %dma_wait3A_256 = tpu.memref_slice %arg4[%add3A_247, %dma_wait3A_254, %dma_wait3A_255] : memref<16384x50x64xf32, #tpu.memory_space<hbm>> -> memref<1x50x64xf32, #tpu.memory_space<hbm>>
    %dma_wait3A_257 = tpu.memref_squeeze %dma_wait3A_256 : memref<1x50x64xf32, #tpu.memory_space<hbm>> -> memref<50x64xf32, #tpu.memory_space<hbm>>
    %dma_wait3A_258 = tpu.memref_slice %arg8[%dma_wait3A_249] : memref<2x!tpu.dma_semaphore, #tpu.memory_space<semaphore_mem>> -> memref<1x!tpu.dma_semaphore, #tpu.memory_space<semaphore_mem>>
    %dma_wait3A_259 = tpu.memref_squeeze %dma_wait3A_258 : memref<1x!tpu.dma_semaphore, #tpu.memory_space<semaphore_mem>> -> memref<!tpu.dma_semaphore, #tpu.memory_space<semaphore_mem>>
    %dma_wait3A_260 = arith.constant 0 : i32
    %dma_wait3A_261 = arith.constant 0 : i32
    %dma_wait3A_262 = tpu.memref_slice %arg4[%add3A_247, %dma_wait3A_260, %dma_wait3A_261] : memref<16384x50x64xf32, #tpu.memory_space<hbm>> -> memref<1x50x64xf32, #tpu.memory_space<hbm>>
    %dma_wait3A_263 = tpu.memref_squeeze %dma_wait3A_262 : memref<1x50x64xf32, #tpu.memory_space<hbm>> -> memref<50x64xf32, #tpu.memory_space<hbm>>
    %dma_wait3A_264 = arith.constant 0 : i32
    %dma_wait3A_265 = arith.constant 0 : i32
    %dma_wait3A_266 = tpu.memref_slice %arg6[%dma_wait3A_248, %dma_wait3A_264, %dma_wait3A_265] : memref<2x400x64xf32, #tpu.memory_space<vmem>> -> memref<1x50x64xf32, #tpu.memory_space<vmem>>
    %dma_wait3A_267 = tpu.memref_squeeze %dma_wait3A_266 : memref<1x50x64xf32, #tpu.memory_space<vmem>> -> memref<50x64xf32, #tpu.memory_space<vmem>>
    tpu.wait_dma2 semaphore(%dma_wait3A_259 : memref<!tpu.dma_semaphore, #tpu.memory_space<semaphore_mem>>) src(%dma_wait3A_267 : memref<50x64xf32, #tpu.memory_space<vmem>>) dst(%dma_wait3A_263 : memref<50x64xf32, #tpu.memory_space<hbm>>)
    %mul3A_268 = arith.constant 512 : i32
    %mul3A_269 = arith.muli %add3A, %mul3A_268 : i32
    %add3A_270 = arith.constant 504 : i32
    %add3A_271 = arith.addi %mul3A_269, %add3A_270 : i32
    %add3A_272 = arith.constant 1 : i32
    %add3A_273 = arith.addi %add3A_271, %add3A_272 : i32
    %dma_wait3A_274 = arith.constant 1 : i32
    %dma_wait3A_275 = arith.constant 1 : i32
    %dma_wait3A_276 = arith.constant 50 : i32
    %dma_wait3A_277 = arith.constant 0 : i32
    %dma_wait3A_278 = tpu.memref_slice %arg6[%dma_wait3A_274, %dma_wait3A_276, %dma_wait3A_277] : memref<2x400x64xf32, #tpu.memory_space<vmem>> -> memref<1x50x64xf32, #tpu.memory_space<vmem>>
    %dma_wait3A_279 = tpu.memref_squeeze %dma_wait3A_278 : memref<1x50x64xf32, #tpu.memory_space<vmem>> -> memref<50x64xf32, #tpu.memory_space<vmem>>
    %dma_wait3A_280 = arith.constant 0 : i32
    %dma_wait3A_281 = arith.constant 0 : i32
    %dma_wait3A_282 = tpu.memref_slice %arg4[%add3A_273, %dma_wait3A_280, %dma_wait3A_281] : memref<16384x50x64xf32, #tpu.memory_space<hbm>> -> memref<1x50x64xf32, #tpu.memory_space<hbm>>
    %dma_wait3A_283 = tpu.memref_squeeze %dma_wait3A_282 : memref<1x50x64xf32, #tpu.memory_space<hbm>> -> memref<50x64xf32, #tpu.memory_space<hbm>>
    %dma_wait3A_284 = tpu.memref_slice %arg8[%dma_wait3A_275] : memref<2x!tpu.dma_semaphore, #tpu.memory_space<semaphore_mem>> -> memref<1x!tpu.dma_semaphore, #tpu.memory_space<semaphore_mem>>
    %dma_wait3A_285 = tpu.memref_squeeze %dma_wait3A_284 : memref<1x!tpu.dma_semaphore, #tpu.memory_space<semaphore_mem>> -> memref<!tpu.dma_semaphore, #tpu.memory_space<semaphore_mem>>
    %dma_wait3A_286 = arith.constant 0 : i32
    %dma_wait3A_287 = arith.constant 0 : i32
    %dma_wait3A_288 = tpu.memref_slice %arg4[%add3A_273, %dma_wait3A_286, %dma_wait3A_287] : memref<16384x50x64xf32, #tpu.memory_space<hbm>> -> memref<1x50x64xf32, #tpu.memory_space<hbm>>
    %dma_wait3A_289 = tpu.memref_squeeze %dma_wait3A_288 : memref<1x50x64xf32, #tpu.memory_space<hbm>> -> memref<50x64xf32, #tpu.memory_space<hbm>>
    %dma_wait3A_290 = arith.constant 50 : i32
    %dma_wait3A_291 = arith.constant 0 : i32
    %dma_wait3A_292 = tpu.memref_slice %arg6[%dma_wait3A_274, %dma_wait3A_290, %dma_wait3A_291] : memref<2x400x64xf32, #tpu.memory_space<vmem>> -> memref<1x50x64xf32, #tpu.memory_space<vmem>>
    %dma_wait3A_293 = tpu.memref_squeeze %dma_wait3A_292 : memref<1x50x64xf32, #tpu.memory_space<vmem>> -> memref<50x64xf32, #tpu.memory_space<vmem>>
    tpu.wait_dma2 semaphore(%dma_wait3A_285 : memref<!tpu.dma_semaphore, #tpu.memory_space<semaphore_mem>>) src(%dma_wait3A_293 : memref<50x64xf32, #tpu.memory_space<vmem>>) dst(%dma_wait3A_289 : memref<50x64xf32, #tpu.memory_space<hbm>>)
    %mul3A_294 = arith.constant 512 : i32
    %mul3A_295 = arith.muli %add3A, %mul3A_294 : i32
    %add3A_296 = arith.constant 504 : i32
    %add3A_297 = arith.addi %mul3A_295, %add3A_296 : i32
    %add3A_298 = arith.constant 2 : i32
    %add3A_299 = arith.addi %add3A_297, %add3A_298 : i32
    %dma_wait3A_300 = arith.constant 1 : i32
    %dma_wait3A_301 = arith.constant 1 : i32
    %dma_wait3A_302 = arith.constant 100 : i32
    %dma_wait3A_303 = arith.constant 0 : i32
    %dma_wait3A_304 = tpu.memref_slice %arg6[%dma_wait3A_300, %dma_wait3A_302, %dma_wait3A_303] : memref<2x400x64xf32, #tpu.memory_space<vmem>> -> memref<1x50x64xf32, #tpu.memory_space<vmem>>
    %dma_wait3A_305 = tpu.memref_squeeze %dma_wait3A_304 : memref<1x50x64xf32, #tpu.memory_space<vmem>> -> memref<50x64xf32, #tpu.memory_space<vmem>>
    %dma_wait3A_306 = arith.constant 0 : i32
    %dma_wait3A_307 = arith.constant 0 : i32
    %dma_wait3A_308 = tpu.memref_slice %arg4[%add3A_299, %dma_wait3A_306, %dma_wait3A_307] : memref<16384x50x64xf32, #tpu.memory_space<hbm>> -> memref<1x50x64xf32, #tpu.memory_space<hbm>>
    %dma_wait3A_309 = tpu.memref_squeeze %dma_wait3A_308 : memref<1x50x64xf32, #tpu.memory_space<hbm>> -> memref<50x64xf32, #tpu.memory_space<hbm>>
    %dma_wait3A_310 = tpu.memref_slice %arg8[%dma_wait3A_301] : memref<2x!tpu.dma_semaphore, #tpu.memory_space<semaphore_mem>> -> memref<1x!tpu.dma_semaphore, #tpu.memory_space<semaphore_mem>>
    %dma_wait3A_311 = tpu.memref_squeeze %dma_wait3A_310 : memref<1x!tpu.dma_semaphore, #tpu.memory_space<semaphore_mem>> -> memref<!tpu.dma_semaphore, #tpu.memory_space<semaphore_mem>>
    %dma_wait3A_312 = arith.constant 0 : i32
    %dma_wait3A_313 = arith.constant 0 : i32
    %dma_wait3A_314 = tpu.memref_slice %arg4[%add3A_299, %dma_wait3A_312, %dma_wait3A_313] : memref<16384x50x64xf32, #tpu.memory_space<hbm>> -> memref<1x50x64xf32, #tpu.memory_space<hbm>>
    %dma_wait3A_315 = tpu.memref_squeeze %dma_wait3A_314 : memref<1x50x64xf32, #tpu.memory_space<hbm>> -> memref<50x64xf32, #tpu.memory_space<hbm>>
    %dma_wait3A_316 = arith.constant 100 : i32
    %dma_wait3A_317 = arith.constant 0 : i32
    %dma_wait3A_318 = tpu.memref_slice %arg6[%dma_wait3A_300, %dma_wait3A_316, %dma_wait3A_317] : memref<2x400x64xf32, #tpu.memory_space<vmem>> -> memref<1x50x64xf32, #tpu.memory_space<vmem>>
    %dma_wait3A_319 = tpu.memref_squeeze %dma_wait3A_318 : memref<1x50x64xf32, #tpu.memory_space<vmem>> -> memref<50x64xf32, #tpu.memory_space<vmem>>
    tpu.wait_dma2 semaphore(%dma_wait3A_311 : memref<!tpu.dma_semaphore, #tpu.memory_space<semaphore_mem>>) src(%dma_wait3A_319 : memref<50x64xf32, #tpu.memory_space<vmem>>) dst(%dma_wait3A_315 : memref<50x64xf32, #tpu.memory_space<hbm>>)
    %mul3A_320 = arith.constant 512 : i32
    %mul3A_321 = arith.muli %add3A, %mul3A_320 : i32
    %add3A_322 = arith.constant 504 : i32
    %add3A_323 = arith.addi %mul3A_321, %add3A_322 : i32
    %add3A_324 = arith.constant 3 : i32
    %add3A_325 = arith.addi %add3A_323, %add3A_324 : i32
    %dma_wait3A_326 = arith.constant 1 : i32
    %dma_wait3A_327 = arith.constant 1 : i32
    %dma_wait3A_328 = arith.constant 150 : i32
    %dma_wait3A_329 = arith.constant 0 : i32
    %dma_wait3A_330 = tpu.memref_slice %arg6[%dma_wait3A_326, %dma_wait3A_328, %dma_wait3A_329] : memref<2x400x64xf32, #tpu.memory_space<vmem>> -> memref<1x50x64xf32, #tpu.memory_space<vmem>>
    %dma_wait3A_331 = tpu.memref_squeeze %dma_wait3A_330 : memref<1x50x64xf32, #tpu.memory_space<vmem>> -> memref<50x64xf32, #tpu.memory_space<vmem>>
    %dma_wait3A_332 = arith.constant 0 : i32
    %dma_wait3A_333 = arith.constant 0 : i32
    %dma_wait3A_334 = tpu.memref_slice %arg4[%add3A_325, %dma_wait3A_332, %dma_wait3A_333] : memref<16384x50x64xf32, #tpu.memory_space<hbm>> -> memref<1x50x64xf32, #tpu.memory_space<hbm>>
    %dma_wait3A_335 = tpu.memref_squeeze %dma_wait3A_334 : memref<1x50x64xf32, #tpu.memory_space<hbm>> -> memref<50x64xf32, #tpu.memory_space<hbm>>
    %dma_wait3A_336 = tpu.memref_slice %arg8[%dma_wait3A_327] : memref<2x!tpu.dma_semaphore, #tpu.memory_space<semaphore_mem>> -> memref<1x!tpu.dma_semaphore, #tpu.memory_space<semaphore_mem>>
    %dma_wait3A_337 = tpu.memref_squeeze %dma_wait3A_336 : memref<1x!tpu.dma_semaphore, #tpu.memory_space<semaphore_mem>> -> memref<!tpu.dma_semaphore, #tpu.memory_space<semaphore_mem>>
    %dma_wait3A_338 = arith.constant 0 : i32
    %dma_wait3A_339 = arith.constant 0 : i32
    %dma_wait3A_340 = tpu.memref_slice %arg4[%add3A_325, %dma_wait3A_338, %dma_wait3A_339] : memref<16384x50x64xf32, #tpu.memory_space<hbm>> -> memref<1x50x64xf32, #tpu.memory_space<hbm>>
    %dma_wait3A_341 = tpu.memref_squeeze %dma_wait3A_340 : memref<1x50x64xf32, #tpu.memory_space<hbm>> -> memref<50x64xf32, #tpu.memory_space<hbm>>
    %dma_wait3A_342 = arith.constant 150 : i32
    %dma_wait3A_343 = arith.constant 0 : i32
    %dma_wait3A_344 = tpu.memref_slice %arg6[%dma_wait3A_326, %dma_wait3A_342, %dma_wait3A_343] : memref<2x400x64xf32, #tpu.memory_space<vmem>> -> memref<1x50x64xf32, #tpu.memory_space<vmem>>
    %dma_wait3A_345 = tpu.memref_squeeze %dma_wait3A_344 : memref<1x50x64xf32, #tpu.memory_space<vmem>> -> memref<50x64xf32, #tpu.memory_space<vmem>>
    tpu.wait_dma2 semaphore(%dma_wait3A_337 : memref<!tpu.dma_semaphore, #tpu.memory_space<semaphore_mem>>) src(%dma_wait3A_345 : memref<50x64xf32, #tpu.memory_space<vmem>>) dst(%dma_wait3A_341 : memref<50x64xf32, #tpu.memory_space<hbm>>)
    %mul3A_346 = arith.constant 512 : i32
    %mul3A_347 = arith.muli %add3A, %mul3A_346 : i32
    %add3A_348 = arith.constant 504 : i32
    %add3A_349 = arith.addi %mul3A_347, %add3A_348 : i32
    %add3A_350 = arith.constant 4 : i32
    %add3A_351 = arith.addi %add3A_349, %add3A_350 : i32
    %dma_wait3A_352 = arith.constant 1 : i32
    %dma_wait3A_353 = arith.constant 1 : i32
    %dma_wait3A_354 = arith.constant 200 : i32
    %dma_wait3A_355 = arith.constant 0 : i32
    %dma_wait3A_356 = tpu.memref_slice %arg6[%dma_wait3A_352, %dma_wait3A_354, %dma_wait3A_355] : memref<2x400x64xf32, #tpu.memory_space<vmem>> -> memref<1x50x64xf32, #tpu.memory_space<vmem>>
    %dma_wait3A_357 = tpu.memref_squeeze %dma_wait3A_356 : memref<1x50x64xf32, #tpu.memory_space<vmem>> -> memref<50x64xf32, #tpu.memory_space<vmem>>
    %dma_wait3A_358 = arith.constant 0 : i32
    %dma_wait3A_359 = arith.constant 0 : i32
    %dma_wait3A_360 = tpu.memref_slice %arg4[%add3A_351, %dma_wait3A_358, %dma_wait3A_359] : memref<16384x50x64xf32, #tpu.memory_space<hbm>> -> memref<1x50x64xf32, #tpu.memory_space<hbm>>
    %dma_wait3A_361 = tpu.memref_squeeze %dma_wait3A_360 : memref<1x50x64xf32, #tpu.memory_space<hbm>> -> memref<50x64xf32, #tpu.memory_space<hbm>>
    %dma_wait3A_362 = tpu.memref_slice %arg8[%dma_wait3A_353] : memref<2x!tpu.dma_semaphore, #tpu.memory_space<semaphore_mem>> -> memref<1x!tpu.dma_semaphore, #tpu.memory_space<semaphore_mem>>
    %dma_wait3A_363 = tpu.memref_squeeze %dma_wait3A_362 : memref<1x!tpu.dma_semaphore, #tpu.memory_space<semaphore_mem>> -> memref<!tpu.dma_semaphore, #tpu.memory_space<semaphore_mem>>
    %dma_wait3A_364 = arith.constant 0 : i32
    %dma_wait3A_365 = arith.constant 0 : i32
    %dma_wait3A_366 = tpu.memref_slice %arg4[%add3A_351, %dma_wait3A_364, %dma_wait3A_365] : memref<16384x50x64xf32, #tpu.memory_space<hbm>> -> memref<1x50x64xf32, #tpu.memory_space<hbm>>
    %dma_wait3A_367 = tpu.memref_squeeze %dma_wait3A_366 : memref<1x50x64xf32, #tpu.memory_space<hbm>> -> memref<50x64xf32, #tpu.memory_space<hbm>>
    %dma_wait3A_368 = arith.constant 200 : i32
    %dma_wait3A_369 = arith.constant 0 : i32
    %dma_wait3A_370 = tpu.memref_slice %arg6[%dma_wait3A_352, %dma_wait3A_368, %dma_wait3A_369] : memref<2x400x64xf32, #tpu.memory_space<vmem>> -> memref<1x50x64xf32, #tpu.memory_space<vmem>>
    %dma_wait3A_371 = tpu.memref_squeeze %dma_wait3A_370 : memref<1x50x64xf32, #tpu.memory_space<vmem>> -> memref<50x64xf32, #tpu.memory_space<vmem>>
    tpu.wait_dma2 semaphore(%dma_wait3A_363 : memref<!tpu.dma_semaphore, #tpu.memory_space<semaphore_mem>>) src(%dma_wait3A_371 : memref<50x64xf32, #tpu.memory_space<vmem>>) dst(%dma_wait3A_367 : memref<50x64xf32, #tpu.memory_space<hbm>>)
    %mul3A_372 = arith.constant 512 : i32
    %mul3A_373 = arith.muli %add3A, %mul3A_372 : i32
    %add3A_374 = arith.constant 504 : i32
    %add3A_375 = arith.addi %mul3A_373, %add3A_374 : i32
    %add3A_376 = arith.constant 5 : i32
    %add3A_377 = arith.addi %add3A_375, %add3A_376 : i32
    %dma_wait3A_378 = arith.constant 1 : i32
    %dma_wait3A_379 = arith.constant 1 : i32
    %dma_wait3A_380 = arith.constant 250 : i32
    %dma_wait3A_381 = arith.constant 0 : i32
    %dma_wait3A_382 = tpu.memref_slice %arg6[%dma_wait3A_378, %dma_wait3A_380, %dma_wait3A_381] : memref<2x400x64xf32, #tpu.memory_space<vmem>> -> memref<1x50x64xf32, #tpu.memory_space<vmem>>
    %dma_wait3A_383 = tpu.memref_squeeze %dma_wait3A_382 : memref<1x50x64xf32, #tpu.memory_space<vmem>> -> memref<50x64xf32, #tpu.memory_space<vmem>>
    %dma_wait3A_384 = arith.constant 0 : i32
    %dma_wait3A_385 = arith.constant 0 : i32
    %dma_wait3A_386 = tpu.memref_slice %arg4[%add3A_377, %dma_wait3A_384, %dma_wait3A_385] : memref<16384x50x64xf32, #tpu.memory_space<hbm>> -> memref<1x50x64xf32, #tpu.memory_space<hbm>>
    %dma_wait3A_387 = tpu.memref_squeeze %dma_wait3A_386 : memref<1x50x64xf32, #tpu.memory_space<hbm>> -> memref<50x64xf32, #tpu.memory_space<hbm>>
    %dma_wait3A_388 = tpu.memref_slice %arg8[%dma_wait3A_379] : memref<2x!tpu.dma_semaphore, #tpu.memory_space<semaphore_mem>> -> memref<1x!tpu.dma_semaphore, #tpu.memory_space<semaphore_mem>>
    %dma_wait3A_389 = tpu.memref_squeeze %dma_wait3A_388 : memref<1x!tpu.dma_semaphore, #tpu.memory_space<semaphore_mem>> -> memref<!tpu.dma_semaphore, #tpu.memory_space<semaphore_mem>>
    %dma_wait3A_390 = arith.constant 0 : i32
    %dma_wait3A_391 = arith.constant 0 : i32
    %dma_wait3A_392 = tpu.memref_slice %arg4[%add3A_377, %dma_wait3A_390, %dma_wait3A_391] : memref<16384x50x64xf32, #tpu.memory_space<hbm>> -> memref<1x50x64xf32, #tpu.memory_space<hbm>>
    %dma_wait3A_393 = tpu.memref_squeeze %dma_wait3A_392 : memref<1x50x64xf32, #tpu.memory_space<hbm>> -> memref<50x64xf32, #tpu.memory_space<hbm>>
    %dma_wait3A_394 = arith.constant 250 : i32
    %dma_wait3A_395 = arith.constant 0 : i32
    %dma_wait3A_396 = tpu.memref_slice %arg6[%dma_wait3A_378, %dma_wait3A_394, %dma_wait3A_395] : memref<2x400x64xf32, #tpu.memory_space<vmem>> -> memref<1x50x64xf32, #tpu.memory_space<vmem>>
    %dma_wait3A_397 = tpu.memref_squeeze %dma_wait3A_396 : memref<1x50x64xf32, #tpu.memory_space<vmem>> -> memref<50x64xf32, #tpu.memory_space<vmem>>
    tpu.wait_dma2 semaphore(%dma_wait3A_389 : memref<!tpu.dma_semaphore, #tpu.memory_space<semaphore_mem>>) src(%dma_wait3A_397 : memref<50x64xf32, #tpu.memory_space<vmem>>) dst(%dma_wait3A_393 : memref<50x64xf32, #tpu.memory_space<hbm>>)
    %mul3A_398 = arith.constant 512 : i32
    %mul3A_399 = arith.muli %add3A, %mul3A_398 : i32
    %add3A_400 = arith.constant 504 : i32
    %add3A_401 = arith.addi %mul3A_399, %add3A_400 : i32
    %add3A_402 = arith.constant 6 : i32
    %add3A_403 = arith.addi %add3A_401, %add3A_402 : i32
    %dma_wait3A_404 = arith.constant 1 : i32
    %dma_wait3A_405 = arith.constant 1 : i32
    %dma_wait3A_406 = arith.constant 300 : i32
    %dma_wait3A_407 = arith.constant 0 : i32
    %dma_wait3A_408 = tpu.memref_slice %arg6[%dma_wait3A_404, %dma_wait3A_406, %dma_wait3A_407] : memref<2x400x64xf32, #tpu.memory_space<vmem>> -> memref<1x50x64xf32, #tpu.memory_space<vmem>>
    %dma_wait3A_409 = tpu.memref_squeeze %dma_wait3A_408 : memref<1x50x64xf32, #tpu.memory_space<vmem>> -> memref<50x64xf32, #tpu.memory_space<vmem>>
    %dma_wait3A_410 = arith.constant 0 : i32
    %dma_wait3A_411 = arith.constant 0 : i32
    %dma_wait3A_412 = tpu.memref_slice %arg4[%add3A_403, %dma_wait3A_410, %dma_wait3A_411] : memref<16384x50x64xf32, #tpu.memory_space<hbm>> -> memref<1x50x64xf32, #tpu.memory_space<hbm>>
    %dma_wait3A_413 = tpu.memref_squeeze %dma_wait3A_412 : memref<1x50x64xf32, #tpu.memory_space<hbm>> -> memref<50x64xf32, #tpu.memory_space<hbm>>
    %dma_wait3A_414 = tpu.memref_slice %arg8[%dma_wait3A_405] : memref<2x!tpu.dma_semaphore, #tpu.memory_space<semaphore_mem>> -> memref<1x!tpu.dma_semaphore, #tpu.memory_space<semaphore_mem>>
    %dma_wait3A_415 = tpu.memref_squeeze %dma_wait3A_414 : memref<1x!tpu.dma_semaphore, #tpu.memory_space<semaphore_mem>> -> memref<!tpu.dma_semaphore, #tpu.memory_space<semaphore_mem>>
    %dma_wait3A_416 = arith.constant 0 : i32
    %dma_wait3A_417 = arith.constant 0 : i32
    %dma_wait3A_418 = tpu.memref_slice %arg4[%add3A_403, %dma_wait3A_416, %dma_wait3A_417] : memref<16384x50x64xf32, #tpu.memory_space<hbm>> -> memref<1x50x64xf32, #tpu.memory_space<hbm>>
    %dma_wait3A_419 = tpu.memref_squeeze %dma_wait3A_418 : memref<1x50x64xf32, #tpu.memory_space<hbm>> -> memref<50x64xf32, #tpu.memory_space<hbm>>
    %dma_wait3A_420 = arith.constant 300 : i32
    %dma_wait3A_421 = arith.constant 0 : i32
    %dma_wait3A_422 = tpu.memref_slice %arg6[%dma_wait3A_404, %dma_wait3A_420, %dma_wait3A_421] : memref<2x400x64xf32, #tpu.memory_space<vmem>> -> memref<1x50x64xf32, #tpu.memory_space<vmem>>
    %dma_wait3A_423 = tpu.memref_squeeze %dma_wait3A_422 : memref<1x50x64xf32, #tpu.memory_space<vmem>> -> memref<50x64xf32, #tpu.memory_space<vmem>>
    tpu.wait_dma2 semaphore(%dma_wait3A_415 : memref<!tpu.dma_semaphore, #tpu.memory_space<semaphore_mem>>) src(%dma_wait3A_423 : memref<50x64xf32, #tpu.memory_space<vmem>>) dst(%dma_wait3A_419 : memref<50x64xf32, #tpu.memory_space<hbm>>)
    %mul3A_424 = arith.constant 512 : i32
    %mul3A_425 = arith.muli %add3A, %mul3A_424 : i32
    %add3A_426 = arith.constant 504 : i32
    %add3A_427 = arith.addi %mul3A_425, %add3A_426 : i32
    %add3A_428 = arith.constant 7 : i32
    %add3A_429 = arith.addi %add3A_427, %add3A_428 : i32
    %dma_wait3A_430 = arith.constant 1 : i32
    %dma_wait3A_431 = arith.constant 1 : i32
    %dma_wait3A_432 = arith.constant 350 : i32
    %dma_wait3A_433 = arith.constant 0 : i32
    %dma_wait3A_434 = tpu.memref_slice %arg6[%dma_wait3A_430, %dma_wait3A_432, %dma_wait3A_433] : memref<2x400x64xf32, #tpu.memory_space<vmem>> -> memref<1x50x64xf32, #tpu.memory_space<vmem>>
    %dma_wait3A_435 = tpu.memref_squeeze %dma_wait3A_434 : memref<1x50x64xf32, #tpu.memory_space<vmem>> -> memref<50x64xf32, #tpu.memory_space<vmem>>
    %dma_wait3A_436 = arith.constant 0 : i32
    %dma_wait3A_437 = arith.constant 0 : i32
    %dma_wait3A_438 = tpu.memref_slice %arg4[%add3A_429, %dma_wait3A_436, %dma_wait3A_437] : memref<16384x50x64xf32, #tpu.memory_space<hbm>> -> memref<1x50x64xf32, #tpu.memory_space<hbm>>
    %dma_wait3A_439 = tpu.memref_squeeze %dma_wait3A_438 : memref<1x50x64xf32, #tpu.memory_space<hbm>> -> memref<50x64xf32, #tpu.memory_space<hbm>>
    %dma_wait3A_440 = tpu.memref_slice %arg8[%dma_wait3A_431] : memref<2x!tpu.dma_semaphore, #tpu.memory_space<semaphore_mem>> -> memref<1x!tpu.dma_semaphore, #tpu.memory_space<semaphore_mem>>
    %dma_wait3A_441 = tpu.memref_squeeze %dma_wait3A_440 : memref<1x!tpu.dma_semaphore, #tpu.memory_space<semaphore_mem>> -> memref<!tpu.dma_semaphore, #tpu.memory_space<semaphore_mem>>
    %dma_wait3A_442 = arith.constant 0 : i32
    %dma_wait3A_443 = arith.constant 0 : i32
    %dma_wait3A_444 = tpu.memref_slice %arg4[%add3A_429, %dma_wait3A_442, %dma_wait3A_443] : memref<16384x50x64xf32, #tpu.memory_space<hbm>> -> memref<1x50x64xf32, #tpu.memory_space<hbm>>
    %dma_wait3A_445 = tpu.memref_squeeze %dma_wait3A_444 : memref<1x50x64xf32, #tpu.memory_space<hbm>> -> memref<50x64xf32, #tpu.memory_space<hbm>>
    %dma_wait3A_446 = arith.constant 350 : i32
    %dma_wait3A_447 = arith.constant 0 : i32
    %dma_wait3A_448 = tpu.memref_slice %arg6[%dma_wait3A_430, %dma_wait3A_446, %dma_wait3A_447] : memref<2x400x64xf32, #tpu.memory_space<vmem>> -> memref<1x50x64xf32, #tpu.memory_space<vmem>>
    %dma_wait3A_449 = tpu.memref_squeeze %dma_wait3A_448 : memref<1x50x64xf32, #tpu.memory_space<vmem>> -> memref<50x64xf32, #tpu.memory_space<vmem>>
    tpu.wait_dma2 semaphore(%dma_wait3A_441 : memref<!tpu.dma_semaphore, #tpu.memory_space<semaphore_mem>>) src(%dma_wait3A_449 : memref<50x64xf32, #tpu.memory_space<vmem>>) dst(%dma_wait3A_445 : memref<50x64xf32, #tpu.memory_space<hbm>>)
    return
  }
}

</mosaic_0001>

<sc_bundles>
// kernel: _embed.3.cloned.1.call-start
scs
__scs_entry_jumppad:
0x0: {  	(pc) =	sbr.rel $0x88, $3  }
0x1: {  	(tag) =	ssettag $0x0;
	lr =	simm.s32 $0x1  }
0x2: {  	[smem:$0x3F9F] =	sst lr;
	_ =	strace $0xD0000000  }
0x3: {  	_ = 	snop  }
0x4: {  	_ = 	snop  }
0x5: {  	_ = 	snop  }
0x6: {  	_ = 	snop  }
0x7: {  	_ = 	snop  }
__scs_overlays_trampoline_lowered:
0x8: {  	[smem:$0x3FAE] =	sst s0  }
0x9: {  	[smem:$0x3FAF] =	sst s1  }
0xa: {  	[smem:$0x3FB0] =	sst s2  }
0xb: {  	[smem:$0x3FB1] =	sst s3  }
0xc: {  	[smem:$0x3FB2] =	sst s4  }
0xd: {  	[smem:$0x3FB3] =	sst s5  }
0xe: {  	[smem:$0x3FB4] =	sst s6  }
0xf: {  	[smem:$0x3FB5] =	sst s7  }
0x10: {  	[smem:$0x3FB6] =	sst s8  }
0x11: {  	[smem:$0x3FB7] =	sst s9;
	s0 =	simm.s32 @!p0 $0x0  }
0x12: {  	s1 =	sld [smem:$0x3F9D];
	s0 =	simm.s32 @p0 $0x1  }
0x13: {  	[smem:$0x3FB8] =	sst s0;
	s0 =	simm.s32 @!p1 $0x0  }
0x14: {  	s2 =	sld [smem:$0x3F9C];
	s0 =	simm.s32 @p1 $0x1  }
0x15: {  	[smem:$0x3FB9] =	sst s0;
	s0 =	simm.s32 @!p2 $0x0  }
0x16: {  	s3 =	sld [smem:$0x3FDB];
	s0 =	simm.s32 @p2 $0x1  }
0x17: {  	s4 =	simm.s32 $0x1BF5;
	[smem:$0x3FBB] =	sst s0  }
0x18: {  	s0 =	sld [smem:$0x3F9E];
	_ =	swait.ge [sflag:s4], $0x0  }
0x19: {  	s7 =	sld [smem:$0x3F9F]  }
0x1a: {  	s8 =	sadd.s32 $0xFFFFE003, lr  }
0x1b: {  	s9 =	sadd.s32 $0xFFFFFEF7, lr;
	s5 =	simm.s32 $0xFFFFFFFF;
	p2 =	slt.u32 s8, $0xFFFFF086  }
0x1c: {  	p1 =	slt.u32 s9, $0xF7A;
	s5 =	simm.s32 @!p2 $0x0  }
0x1d: {  	s5 =	simm.s32 @p1 $0x1;
	p0 =	seq.s32 s7, s2  }
0x1e: {  	s7 =	smul.u32 @!p0 $0xF7A, s2;
	p2 =	seq.s32 @!p0 s5, $0x0  }
0x1f: {  	s9 =	smul.u32 $0xF7A, s1;
	s8 =	simm.s32 @!p0 $0x1BF5;
	p2 =	por !p2, p0  }
0x20: {  	[sflag:s8] =	ssyncset.s32 @!p0 $0xFFFFF086;
	s6 =	sadd.s32 @!p0 s3, s7;
	s7 =	simm.s32 @!p0 $0x108  }
0x21: {  	s3 =	sadd.s32 s3, s9;
	s6 =	sadd.s32 @!p0 $0x88, s6;
	s7 =	simm.s32 @p2 $0x1082  }
0x22: {  	[simem:s7], [sflag:s8] =	dma.local @!p0 [hbm:s6], $0xF7A  }
0x23: {  	s9 =	sor.u32 $0xD0000000, s2;
	s6 =	simm.s32 $0x108;
	_ =	swait.ge @!p0 [sflag:s8], $0x0  }
0x24: {  	s3 =	sadd.s32 $0x88, s3;
	s6 =	simm.s32 @!p1 $0x1082;
	[sflag:s4] =	ssyncset.s32 $0xFFFFF086  }
0x25: {  	[simem:s6], [sflag:s4] =	dma.local [hbm:s3], $0xF7A  }
0x26: {  	[smem:$0x3F9F] =	sst s1;
	(tag) =	ssettag s2;
	_ =	strace s9  }
0x27: {  	s1 =	sld [smem:$0x3FAF]  }
0x28: {  	s2 =	sld [smem:$0x3FB0]  }
0x29: {  	s4 =	sld [smem:$0x3FB2]  }
0x2a: {  	p0 =	seq.s32 s5, $0x0;
	s5 =	sld [smem:$0x3FB3]  }
0x2b: {  	s6 =	sld [smem:$0x3FB4]  }
0x2c: {  	s7 =	sld [smem:$0x3FB5]  }
0x2d: {  	s3 =	simm.s32 $0x108;
	s8 =	sld [smem:$0x3FB6]  }
0x2e: {  	s3 =	simm.s32 @!p0 $0x1082;
	s9 =	sld [smem:$0x3FB7]  }
0x2f: {  	lr =	sadd.s32 s0, s3;
	s0 =	sld [smem:$0x3FAE]  }
0x30: {  	s3 =	sld [smem:$0x3FB1]  }
0x31: {  	[smem:$0x3FBA] =	sst s10  }
0x32: {  	s10 =	sld [smem:$0x3FB8];
	_ =	sdelay $0x3  }
0x33: {  	p0 =	seq.s32 s10, $0x1;
	s10 =	sld [smem:$0x3FBA];
	_ =	sdelay $0x3  }
0x34: {  	[smem:$0x3FBA] =	sst s10  }
0x35: {  	s10 =	sld [smem:$0x3FB9];
	_ =	sdelay $0x3  }
0x36: {  	p1 =	seq.s32 s10, $0x1;
	s10 =	sld [smem:$0x3FBA];
	_ =	sdelay $0x3  }
0x37: {  	[smem:$0x3FBA] =	sst s10  }
0x38: {  	s10 =	sld [smem:$0x3FBB]  }
0x39: {  	_ = 	snop;
	(pc) =	sbr.ind lr, $3  }
0x3a: {  	_ = 	snop  }
0x3b: {  	_ = 	snop  }
0x3c: {  	p2 =	seq.s32 s10, $0x1;
	s10 =	sld [smem:$0x3FBA]  }
0x3d: {  	_ =	shalt  }
0x3e: {  	_ =	shalt  }
0x3f: {  	_ =	shalt  }
0x40: {  	_ =	shalt  }
0x41: {  	_ =	shalt  }
0x42: {  	_ =	shalt  }
0x43: {  	_ =	shalt  }
0x44: {  	_ =	shalt  }
0x45: {  	_ =	shalt  }
0x46: {  	_ =	shalt  }
0x47: {  	_ =	shalt  }
0x48: {  	_ =	shalt  }
0x49: {  	_ =	shalt  }
0x4a: {  	_ =	shalt  }
0x4b: {  	_ =	shalt  }
0x4c: {  	_ =	shalt  }
0x4d: {  	_ =	shalt  }
0x4e: {  	_ =	shalt  }
0x4f: {  	_ =	shalt  }
0x50: {  	_ =	shalt  }
0x51: {  	_ =	shalt  }
0x52: {  	_ =	shalt  }
0x53: {  	_ =	shalt  }
0x54: {  	_ =	shalt  }
0x55: {  	_ =	shalt  }
0x56: {  	_ =	shalt  }
0x57: {  	_ =	shalt  }
0x58: {  	_ =	shalt  }
0x59: {  	_ =	shalt  }
0x5a: {  	_ =	shalt  }
0x5b: {  	_ =	shalt  }
0x5c: {  	_ =	shalt  }
0x5d: {  	_ =	shalt  }
0x5e: {  	_ =	shalt  }
0x5f: {  	_ =	shalt  }
0x60: {  	_ =	shalt  }
0x61: {  	_ =	shalt  }
0x62: {  	_ =	shalt  }
0x63: {  	_ =	shalt  }
0x64: {  	_ =	shalt  }
0x65: {  	_ =	shalt  }
0x66: {  	_ =	shalt  }
0x67: {  	_ =	shalt  }
0x68: {  	_ =	shalt  }
0x69: {  	_ =	shalt  }
0x6a: {  	_ =	shalt  }
0x6b: {  	_ =	shalt  }
0x6c: {  	_ =	shalt  }
0x6d: {  	_ =	shalt  }
0x6e: {  	_ =	shalt  }
0x6f: {  	_ =	shalt  }
0x70: {  	_ =	shalt  }
0x71: {  	_ =	shalt  }
0x72: {  	_ =	shalt  }
0x73: {  	_ =	shalt  }
0x74: {  	_ =	shalt  }
0x75: {  	_ =	shalt  }
0x76: {  	_ =	shalt  }
0x77: {  	_ =	shalt  }
0x78: {  	_ =	shalt  }
0x79: {  	_ =	shalt  }
0x7a: {  	_ =	shalt  }
0x7b: {  	_ =	shalt  }
0x7c: {  	_ =	shalt  }
0x7d: {  	_ =	shalt  }
0x7e: {  	_ =	shalt  }
0x7f: {  	_ =	shalt  }
0x80: {  	_ =	shalt  }
0x81: {  	_ =	shalt  }
0x82: {  	_ =	shalt  }
0x83: {  	_ =	shalt  }
0x84: {  	_ =	shalt  }
0x85: {  	_ =	shalt  }
0x86: {  	_ =	shalt  }
0x87: {  	_ =	shalt  }
.Lfunc_end0:
.L_simem_size_0:
called_computation.1_lowered:
.L_overlay_start_0:
0x88: {  	s2 =	sld [smem:$0x3FD9]  }
0x89: {  	s3 =	sld [smem:$0x3FFE];
	_ =	sdelay $0x1  }
0x8a: {  	s1 =	srdreg.scid  }
0x8b: {  	s0 =	sand.u32 $0x1, s1  }
0x8c: {  	s17 =	sshll.u32 s0, $0xA;
	s2 =	sadd.s32 s3, s2  }
0x8d: {  	s2 =	sadd.s32 s2, s17  }
0x8e: {  	[smem:$0x3FC6] =	sst s2  }
0x8f: {  	_ = 	snop  }
0x90: {  	s2 =	sld [smem:$0x3FC9]  }
0x91: {  	s18 =	sld [smem:$0x3FD0];
	(tm) =	ssettm $0x1  }
0x92: {  	s4 =	sld [smem:$0x3FFB];
	_ =	sdelay $0x3  }
0x93: {  	_ =	strace s4  }
0x94: {  	s4 =	sld [smem:$0x3FFC];
	_ =	sdelay $0x3  }
0x95: {  	_ =	strace s4  }
0x96: {  	s4 =	sld [smem:$0x3FFD];
	_ =	sdelay $0x3  }
0x97: {  	_ =	strace s4  }
0x98: {  	_ =	strace $0x8FFFFFFF  }
0x99: {  	s19 =	sld [smem:$0x3FDB];
	_ =	sdelay $0x1  }
0x9a: {  	s5 =	simm.s32 $_scs_section_size  }
0x9b: {  	s6 =	simm.s32 $_size__tile_overlayer_lowered;
	s7 =	simm.s32 $_tile_overlayer_lowered  }
0x9c: {  	s22 =	simm.s32 $0x1BFF;
	s21 =	sshll.u32 s7, $0x1;
	s4 =	sadd.s32 s5, s19  }
0x9d: {  	s8 =	simm.s32 $0x0;
	s20 =	sshll.u32 s6, $0x1;
	s6 =	sadd.s32 s21, s4  }
0x9e: {  	[timem:s8], [sflag:s22] =	dma.local [hbm:s6], s20  }
0x9f: {  	_ =	swait.ge [sflag:s22], s20  }
0xa0: {  	s5 =	ssub.s32 $0x0, s20;
	[sflag:s22] =	ssyncset.done $0x0  }
0xa1: {  	[sflag:s22] =	ssyncadd.s32 s5;
	_ =	sdelay $0x1  }
0xa2: {  	s23 =	simm.s32 $0x1B8B  }
0xa3: {  	_ =	swait.ge [sflag:s23], $0x1  }
0xa4: {  	[sflag:s23] =	ssyncset.done $0x0  }
0xa5: {  	s25 =	simm.s32 $0x1B8E;
	s24 =	sld [smem:$0x3FFE];
	[sflag:s23] =	ssyncadd.s32 $0xFFFFFFFF  }
0xa6: {  	s26 =	simm.s32 $execute0_lowered;
	[smem:$0x3FD2] =	sst s25  }
0xa7: {  	s6 =	sshll.u32 s26, $0x1;
	_ =	strace $0x80000046;
	[dreg:$0x1] =	wrdreg $0xFFFFFFFF  }
0xa8: {  	s28 =	simm.s32 $_size_execute0_lowered;
	s4 =	sadd.s32 s4, s6;
	[dreg:$0x0] =	wrdreg $0x0  }
0xa9: {  	s6 =	sshll.u32 s28, $0x1;
	[dreg:$0x2] =	wrdreg s4  }
0xaa: {  	[dreg:$0x3] =	wrdreg s6  }
0xab: {  	[dreg:$0x4] =	wrdreg $0xC0  }
0xac: {  	_ =	task [dreg:s8], $0x5FFFF  }
0xad: {  	[dreg:$0x1] =	wrdreg $0xFFFFFFFF  }
0xae: {  	[dreg:$0x0] =	wrdreg $0x60  }
0xaf: {  	[dreg:$0x2] =	wrdreg s24  }
0xb0: {  	[dreg:$0x3] =	wrdreg s2  }
0xb1: {  	[dreg:$0x4] =	wrdreg s18  }
0xb2: {  	[dreg:$0x5] =	wrdreg $0x9  }
0xb3: {  	_ =	task.clear_ibuf [dreg:s8], $0x6FFFF;
	_ =	strace $0x90000046  }
0xb4: {  	s29 =	simm.s32 $0x9;
	_ =	strace $0x80000048  }
0xb5: {  	_ =	swait.ge [sflag:s29], $0x1  }
0xb6: {  	[sflag:s29] =	ssyncadd.s32 $0xFFFFFFFF  }
0xb7: {  	_ =	strace $0x90000048  }
0xb8: {  	_ =	sfence  }
0xb9: {  	s30 =	sld [smem:$0x0];
	_ =	sdelay $0x2  }
0xba: {  	s31 =	sshll.u32 s1, $0xD;
	s1 =	sshrl.u32 s1, $0x2  }
0xbb: {  	s3 =	sand.u32 $0x4000, s31;
	s1 =	sadd.s32 s1, s30  }
0xbc: {  	s0 =	sor.u32 s3, s0;
	s1 =	sshll.u32 s1, $0x11  }
0xbd: {  	s0 =	sor.u32 s1, s0  }
0xbe: {  	s0 =	sadd.s32 $0x8F2B, s0  }
0xbf: {  	[sflag:s0] =	ssyncadd.remote.s32 $0x1  }
0xc0: {  	_ =	sfence.sel $0xFFFF  }
0xc1: {  	[dreg:$0x0] =	wrdreg $0xFFFFFFFF;
	(pc) =	sbr.abs _section_cstart, $3  }
0xc2: {  	[dreg:$0x1] =	wrdreg $0xFFFFFFFF  }
0xc3: {  	_ =	task.clear_ibuf [dreg:s8], $0x2FFFF;
	_ =	strace $0x9FFFFFFF  }
0xc4: {  	(tm) =	ssettm $0x7FFFFFFF  }
0xc5: {  	_ =	shalt  }
tec
execute0_lowered:
.L_overlay_start_1:
0x0: {  	(tag) =	ssettag $0x1  }
0x1: {  	s1 =	rddreg [dreg:$0x0]  }
0x2: {  	s4 =	rddreg [dreg:$0x1]  }
0x3: {  	s0 =	rddreg [dreg:$0x2];
	s2 =	simm.s32 $0x0  }
0x4: {  	s3 =	srdreg.scid;
	s11 =	stileid.u32;
	s29 =	simm.s32 $0x10680  }
0x5: {  	s30 =	simm.s32 $0x11F80;
	s28 =	simm.s32 $0x190;
	s6 =	smul.u32 $0x320000, s11  }
0x6: {  	s5 =	sand.u32 $0x1, s3;
	s21 =	sshll.u32 s11, $0x1;
	s16 =	smul.u32 $0x64000, s11  }
0x7: {  	[smem:$0x7FF] =	sst s2;
	s3 =	sor.u32 s5, s21;
	s7 =	smul.u32 $0x190000, s5  }
0x8: {  	_ =	strace $0x80000047;
	s8 =	ssub.s32 $0x2, s5;
	s9 =	smul.u32 $0xC80, s3  }
0x9: {  	s5 =	smul.u32 $0x32000, s5;
	s3 =	sadd.s32 $0xF42C00, s1;
	s22 =	sshrl.u32 s8, $0x1  }
0xa: {  	s18 =	sadd.s32 s7, s6;
	s1 =	ssub.s32 s8, s22;
	s4 =	sadd.s32 s4, s9  }
0xb: {  	s23 =	sor.u32 $0xBB80, s18;
	s1 =	smax.u32 s1, $0x1;
	s25 =	sor.u32 $0xAF00, s18  }
0xc: {  	s31 =	sor.u32 $0xA280, s18;
	s9 =	sor.u32 $0x9600, s18;
	s12 =	sor.u32 $0x8980, s18  }
0xd: {  	s14 =	sor.u32 $0x7D00, s18;
	s17 =	sor.u32 $0x7080, s18;
	s20 =	sor.u32 $0x4B00, s18  }
0xe: {  	s21 =	sor.u32 $0x3E80, s18;
	s22 =	sor.u32 $0x3200, s18;
	[dreg:$0x4] =	wrdreg s4  }
0xf: {  	[dreg:$0x5] =	wrdreg s1;
	s24 =	sshrl.u32 s23, $0x3;
	s26 =	sshrl.u32 s25, $0x3  }
0x10: {  	s8 =	sshrl.u32 s31, $0x3;
	s10 =	sshrl.u32 s9, $0x3;
	s13 =	sshrl.u32 s12, $0x3  }
0x11: {  	s15 =	sshrl.u32 s14, $0x3;
	s1 =	sshrl.u32 s17, $0x3;
	s4 =	sadd.s32 s16, s0  }
0x12: {  	s14 =	sor.u32 $0x5780, s18;
	s23 =	sshrl.u32 s22, $0x3;
	s25 =	sor.u32 $0x1900, s18  }
0x13: {  	s22 =	simm.s32 $0x11300;
	s6 =	sadd.s32 s24, s0;
	s7 =	sadd.s32 s26, s0  }
0x14: {  	s8 =	sadd.s32 s8, s0;
	s9 =	sadd.s32 s10, s0;
	s10 =	sadd.s32 s13, s0  }
0x15: {  	s11 =	sadd.s32 s15, s0;
	s12 =	sadd.s32 s1, s0;
	s13 =	sadd.s32 s5, s4  }
0x16: {  	s19 =	sshrl.u32 s14, $0x3;
	s1 =	sshrl.u32 s20, $0x3;
	s4 =	sshrl.u32 s21, $0x3  }
0x17: {  	s17 =	sadd.s32 s23, s0;
	s24 =	sor.u32 $0x2580, s18;
	s26 =	sor.u32 $0xC80, s18  }
.Ltmp0:
0x18: {  	s23 =	simm.s32 $0x4;
	s14 =	sadd.s32 s19, s0;
	(pc) =	sbr.rel .LBB2_1-.Ltmp0, $4  }
0x19: {  	s15 =	sadd.s32 s1, s0;
	s16 =	sadd.s32 s4, s0;
	s1 =	sshrl.u32 s24, $0x3  }
0x1a: {  	s4 =	sshrl.u32 s25, $0x3;
	s31 =	sshrl.u32 s26, $0x3;
	s24 =	simm.s32 $0xC800  }
0x1b: {  	s25 =	simm.s32 $0x1;
	s18 =	sadd.s32 s1, s0;
	s19 =	sadd.s32 s4, s0  }
0x1c: {  	s20 =	sadd.s32 s31, s0;
	s4 =	simm.s32 $0x2;
	s1 =	simm.s32 $0x0  }
.LBB2_4:
0x1d: {  	s0 =	simm.s32 $0x3  }
0x1e: {  	_ =	swait.ge [sflag:s0], $0xC80  }
0x1f: {  	[sflag:s0] =	ssyncset.done $0x0  }
0x20: {  	[sflag:s0] =	ssyncadd.s32 $0xFFFFF380  }
0x21: {  	_ =	swait.ge [sflag:s0], $0xC80  }
0x22: {  	[sflag:s0] =	ssyncset.done $0x0  }
0x23: {  	[sflag:s0] =	ssyncadd.s32 $0xFFFFF380  }
0x24: {  	_ =	swait.ge [sflag:s0], $0xC80  }
0x25: {  	[sflag:s0] =	ssyncset.done $0x0  }
0x26: {  	[sflag:s0] =	ssyncadd.s32 $0xFFFFF380  }
0x27: {  	_ =	swait.ge [sflag:s0], $0xC80  }
0x28: {  	[sflag:s0] =	ssyncset.done $0x0  }
0x29: {  	[sflag:s0] =	ssyncadd.s32 $0xFFFFF380  }
0x2a: {  	_ =	swait.ge [sflag:s0], $0xC80  }
0x2b: {  	[sflag:s0] =	ssyncset.done $0x0  }
0x2c: {  	[sflag:s0] =	ssyncadd.s32 $0xFFFFF380  }
0x2d: {  	_ =	swait.ge [sflag:s0], $0xC80  }
0x2e: {  	[sflag:s0] =	ssyncset.done $0x0  }
0x2f: {  	[sflag:s0] =	ssyncadd.s32 $0xFFFFF380  }
0x30: {  	_ =	swait.ge [sflag:s0], $0xC80  }
0x31: {  	[sflag:s0] =	ssyncset.done $0x0  }
0x32: {  	[sflag:s0] =	ssyncadd.s32 $0xFFFFF380  }
0x33: {  	_ =	swait.ge [sflag:s0], $0xC80  }
0x34: {  	[sflag:s0] =	ssyncset.done $0x0  }
0x35: {  	[sflag:s0] =	ssyncadd.s32 $0xFFFFF380  }
0x36: {  	_ =	swait.ge [sflag:s23], $0xC80  }
0x37: {  	[sflag:s23] =	ssyncset.done $0x0  }
0x38: {  	[sflag:s23] =	ssyncadd.s32 $0xFFFFF380  }
0x39: {  	_ =	swait.ge [sflag:s23], $0xC80  }
0x3a: {  	[sflag:s23] =	ssyncset.done $0x0  }
0x3b: {  	[sflag:s23] =	ssyncadd.s32 $0xFFFFF380  }
0x3c: {  	_ =	swait.ge [sflag:s23], $0xC80  }
0x3d: {  	[sflag:s23] =	ssyncset.done $0x0  }
0x3e: {  	[sflag:s23] =	ssyncadd.s32 $0xFFFFF380  }
0x3f: {  	_ =	swait.ge [sflag:s23], $0xC80  }
0x40: {  	[sflag:s23] =	ssyncset.done $0x0  }
0x41: {  	[sflag:s23] =	ssyncadd.s32 $0xFFFFF380  }
0x42: {  	_ =	swait.ge [sflag:s23], $0xC80  }
0x43: {  	[sflag:s23] =	ssyncset.done $0x0  }
0x44: {  	[sflag:s23] =	ssyncadd.s32 $0xFFFFF380  }
0x45: {  	_ =	swait.ge [sflag:s23], $0xC80  }
0x46: {  	[sflag:s23] =	ssyncset.done $0x0  }
0x47: {  	[sflag:s23] =	ssyncadd.s32 $0xFFFFF380  }
0x48: {  	_ =	swait.ge [sflag:s23], $0xC80  }
0x49: {  	[sflag:s23] =	ssyncset.done $0x0  }
0x4a: {  	[sflag:s23] =	ssyncadd.s32 $0xFFFFF380  }
0x4b: {  	_ =	swait.ge [sflag:s23], $0xC80  }
0x4c: {  	s1 =	rddreg [dreg:$0x6]  }
0x4d: {  	s31 =	rddreg [dreg:$0x5];
	s1 =	sadd.s32 $0x1, s1  }
0x4e: {  	p0 =	sne.s32 s1, s31  }
.Ltmp1:
0x4f: {  	_ = 	snop;
	(pc) =	sbr.rel @!p0 .LBB2_5-.Ltmp1, $3  }
0x50: {  	_ =	sdelay $0x1  }
0x51: {  	[sflag:s23] =	ssyncset.done $0x0  }
0x52: {  	[sflag:s23] =	ssyncadd.s32 $0xFFFFF380  }
.LBB2_1:
0x53: {  	[dreg:$0x6] =	wrdreg s1  }
0x54: {  	s0 =	rddreg [dreg:$0x4];
	s5 =	simm.s32 $0x5  }
0x55: {  	[tilespmem:s2], [sflag:$0x5] =	stream.linear.gather [hbm4b:s0+s2], $0x6400, $0x38;
	[tilespmem:$0x12C00] =	vst v63  }
0x56: {  	_ =	swait.ge [sflag:s5], $0x6400  }
0x57: {  	[sflag:s5] =	ssyncset.done $0x0  }
0x58: {  	s21 =	simm.s32 $0x190;
	s26 =	simm.s32 $0x6400;
	[sflag:s5] =	ssyncadd.s32 $0xFFFF9C00  }
0x59: {  	[tilespmem:s26], [sflag:$0x1] =	stream.indirect.gather [hbm4b:s3+s21], $0x40, s2, s21, $0xb8;
	[tilespmem:$0x12C00] =	vst v63  }
0x5a: {  	s31 =	simm.s32 $0x4B0;
	s0 =	simm.s32 $0x0  }
0x5b: {  	[tilespmem:s24], [sflag:$0x2] =	stream.indirect.gather [hbm4b:s3+s21], $0x40, s21, s21, $0xb8;
	[tilespmem:$0x12C00] =	vst v63  }
.LBB2_2:
0x5c: {  	_ =	swait.ge [sflag:s25], $0x6400  }
0x5d: {  	[sflag:s25] =	ssyncset.done $0x0  }
0x5e: {  	s1 =	sadd.s32 s0, s13;
	s5 =	simm.s32 $0x6400;
	[sflag:s25] =	ssyncadd.s32 $0xFFFF9C00  }
0x5f: {  	[hbm4b:s1+s2] =	stream.linear.scatter [tilespmem:s5], [sflag:$0x3], $0xC80, $0x38;
	[tilespmem:$0x12C00] =	vst v63  }
0x60: {  	s26 =	sadd.s32 s0, s20;
	s21 =	simm.s32 $0x7080  }
0x61: {  	[hbm4b:s26+s2] =	stream.linear.scatter [tilespmem:s21], [sflag:$0x3], $0xC80, $0x38;
	[tilespmem:$0x12C00] =	vst v63  }
0x62: {  	s21 =	sadd.s32 s0, s19;
	s26 =	simm.s32 $0x7D00  }
0x63: {  	[hbm4b:s21+s2] =	stream.linear.scatter [tilespmem:s26], [sflag:$0x3], $0xC80, $0x38;
	[tilespmem:$0x12C00] =	vst v63  }
0x64: {  	s21 =	sadd.s32 s0, s18;
	s26 =	simm.s32 $0x8980  }
0x65: {  	[hbm4b:s21+s2] =	stream.linear.scatter [tilespmem:s26], [sflag:$0x3], $0xC80, $0x38;
	[tilespmem:$0x12C00] =	vst v63  }
0x66: {  	s21 =	sadd.s32 s0, s17;
	s26 =	simm.s32 $0x9600  }
0x67: {  	[hbm4b:s21+s2] =	stream.linear.scatter [tilespmem:s26], [sflag:$0x3], $0xC80, $0x38;
	[tilespmem:$0x12C00] =	vst v63  }
0x68: {  	s21 =	sadd.s32 s0, s16;
	s26 =	simm.s32 $0xA280  }
0x69: {  	[hbm4b:s21+s2] =	stream.linear.scatter [tilespmem:s26], [sflag:$0x3], $0xC80, $0x38;
	[tilespmem:$0x12C00] =	vst v63  }
0x6a: {  	p0 =	seq.s32 s0, $0x30700;
	s21 =	sadd.s32 s0, s15;
	s26 =	simm.s32 $0xAF00  }
0x6b: {  	[hbm4b:s21+s2] =	stream.linear.scatter [tilespmem:s26], [sflag:$0x3], $0xC80, $0x38;
	[tilespmem:$0x12C00] =	vst v63  }
0x6c: {  	s5 =	simm.s32 @!p0 $0x3;
	s21 =	sadd.s32 s0, s14;
	s26 =	simm.s32 $0xBB80  }
0x6d: {  	[hbm4b:s21+s2] =	stream.linear.scatter [tilespmem:s26], [sflag:$0x3], $0xC80, $0x38;
	[tilespmem:$0x12C00] =	vst v63  }
0x6e: {  	_ =	swait.ge @!p0 [sflag:s5], $0xC80  }
0x6f: {  	[sflag:s5] =	ssyncset.done @!p0 $0x0  }
0x70: {  	[sflag:s5] =	ssyncadd.s32 @!p0 $0xFFFFF380  }
0x71: {  	_ =	swait.ge @!p0 [sflag:s5], $0xC80  }
0x72: {  	[sflag:s5] =	ssyncset.done @!p0 $0x0  }
0x73: {  	[sflag:s5] =	ssyncadd.s32 @!p0 $0xFFFFF380  }
0x74: {  	_ =	swait.ge @!p0 [sflag:s5], $0xC80  }
0x75: {  	[sflag:s5] =	ssyncset.done @!p0 $0x0  }
0x76: {  	[sflag:s5] =	ssyncadd.s32 @!p0 $0xFFFFF380  }
0x77: {  	_ =	swait.ge @!p0 [sflag:s5], $0xC80  }
0x78: {  	[sflag:s5] =	ssyncset.done @!p0 $0x0  }
0x79: {  	[sflag:s5] =	ssyncadd.s32 @!p0 $0xFFFFF380  }
0x7a: {  	_ =	swait.ge @!p0 [sflag:s5], $0xC80  }
0x7b: {  	[sflag:s5] =	ssyncset.done @!p0 $0x0  }
0x7c: {  	[sflag:s5] =	ssyncadd.s32 @!p0 $0xFFFFF380  }
0x7d: {  	_ =	swait.ge @!p0 [sflag:s5], $0xC80  }
0x7e: {  	[sflag:s5] =	ssyncset.done @!p0 $0x0  }
0x7f: {  	[sflag:s5] =	ssyncadd.s32 @!p0 $0xFFFFF380  }
0x80: {  	_ =	swait.ge @!p0 [sflag:s5], $0xC80  }
0x81: {  	[sflag:s5] =	ssyncset.done @!p0 $0x0  }
0x82: {  	[sflag:s5] =	ssyncadd.s32 @!p0 $0xFFFFF380  }
0x83: {  	_ =	swait.ge @!p0 [sflag:s5], $0xC80  }
0x84: {  	s21 =	simm.s32 @!p0 $0x190;
	[sflag:s5] =	ssyncset.done @!p0 $0x0  }
0x85: {  	s26 =	simm.s32 @!p0 $0x6400;
	[sflag:s5] =	ssyncadd.s32 @!p0 $0xFFFFF380;
	s5 =	sadd.s32 @!p0 $0xFFFFFE70, s31  }
0x86: {  	[tilespmem:s26], [sflag:$0x1] =	stream.indirect.gather @!p0 [hbm4b:s3+s21], $0x40, s5, s21, $0xb8;
	[tilespmem:$0x12C00] =	vst v63  }
0x87: {  	_ =	swait.ge [sflag:s4], $0x6400  }
0x88: {  	[sflag:s4] =	ssyncset.done $0x0  }
0x89: {  	s1 =	sadd.s32 $0xC80, s1;
	[sflag:s4] =	ssyncadd.s32 $0xFFFF9C00  }
0x8a: {  	[hbm4b:s1+s2] =	stream.linear.scatter [tilespmem:s24], [sflag:$0x4], $0xC80, $0x38;
	[tilespmem:$0x12C00] =	vst v63  }
0x8b: {  	s21 =	sadd.s32 s0, s12;
	s26 =	simm.s32 $0xD480  }
0x8c: {  	[hbm4b:s21+s2] =	stream.linear.scatter [tilespmem:s26], [sflag:$0x4], $0xC80, $0x38;
	[tilespmem:$0x12C00] =	vst v63  }
0x8d: {  	s21 =	sadd.s32 s0, s11;
	s26 =	simm.s32 $0xE100  }
0x8e: {  	[hbm4b:s21+s2] =	stream.linear.scatter [tilespmem:s26], [sflag:$0x4], $0xC80, $0x38;
	[tilespmem:$0x12C00] =	vst v63  }
0x8f: {  	s21 =	sadd.s32 s0, s10;
	s26 =	simm.s32 $0xED80  }
0x90: {  	[hbm4b:s21+s2] =	stream.linear.scatter [tilespmem:s26], [sflag:$0x4], $0xC80, $0x38;
	[tilespmem:$0x12C00] =	vst v63  }
0x91: {  	s21 =	sadd.s32 s0, s9;
	s26 =	simm.s32 $0xFA00  }
0x92: {  	[hbm4b:s21+s2] =	stream.linear.scatter [tilespmem:s26], [sflag:$0x4], $0xC80, $0x38;
	[tilespmem:$0x12C00] =	vst v63  }
0x93: {  	s5 =	sadd.s32 s0, s8  }
0x94: {  	[hbm4b:s5+s2] =	stream.linear.scatter [tilespmem:s29], [sflag:$0x4], $0xC80, $0x38;
	[tilespmem:$0x12C00] =	vst v63  }
.Ltmp2:
0x95: {  	_ = 	snop;
	(pc) =	sbr.rel @p0 .LBB2_4-.Ltmp2, $4  }
0x96: {  	s21 =	sadd.s32 s0, s7  }
0x97: {  	[hbm4b:s21+s2] =	stream.linear.scatter [tilespmem:s22], [sflag:$0x4], $0xC80, $0x38;
	[tilespmem:$0x12C00] =	vst v63  }
0x98: {  	s26 =	sadd.s32 s0, s6  }
0x99: {  	[hbm4b:s26+s2] =	stream.linear.scatter [tilespmem:s30], [sflag:$0x4], $0xC80, $0x38;
	[tilespmem:$0x12C00] =	vst v63  }
0x9a: {  	_ =	swait.ge [sflag:s23], $0xC80  }
0x9b: {  	[sflag:s23] =	ssyncset.done $0x0  }
0x9c: {  	[sflag:s23] =	ssyncadd.s32 $0xFFFFF380  }
0x9d: {  	_ =	swait.ge [sflag:s23], $0xC80  }
0x9e: {  	[sflag:s23] =	ssyncset.done $0x0  }
0x9f: {  	[sflag:s23] =	ssyncadd.s32 $0xFFFFF380  }
0xa0: {  	_ =	swait.ge [sflag:s23], $0xC80  }
0xa1: {  	[sflag:s23] =	ssyncset.done $0x0  }
0xa2: {  	[sflag:s23] =	ssyncadd.s32 $0xFFFFF380  }
0xa3: {  	_ =	swait.ge [sflag:s23], $0xC80  }
0xa4: {  	[sflag:s23] =	ssyncset.done $0x0  }
0xa5: {  	[sflag:s23] =	ssyncadd.s32 $0xFFFFF380  }
0xa6: {  	_ =	swait.ge [sflag:s23], $0xC80  }
0xa7: {  	[sflag:s23] =	ssyncset.done $0x0  }
0xa8: {  	[sflag:s23] =	ssyncadd.s32 $0xFFFFF380  }
0xa9: {  	_ =	swait.ge [sflag:s23], $0xC80  }
0xaa: {  	[sflag:s23] =	ssyncset.done $0x0  }
0xab: {  	[sflag:s23] =	ssyncadd.s32 $0xFFFFF380  }
0xac: {  	_ =	swait.ge [sflag:s23], $0xC80  }
0xad: {  	[sflag:s23] =	ssyncset.done $0x0  }
0xae: {  	[sflag:s23] =	ssyncadd.s32 $0xFFFFF380  }
.Ltmp3:
0xaf: {  	_ =	swait.ge [sflag:s23], $0xC80;
	(pc) =	sbr.rel .LBB2_2-.Ltmp3, $4  }
0xb0: {  	[sflag:s23] =	ssyncset.done $0x0  }
0xb1: {  	[sflag:s23] =	ssyncadd.s32 $0xFFFFF380  }
0xb2: {  	[tilespmem:s24], [sflag:$0x2] =	stream.indirect.gather [hbm4b:s3+s28], $0x40, s31, s28, $0xb8;
	[tilespmem:$0x12C00] =	vst v63  }
0xb3: {  	s0 =	sadd.s32 $0x1900, s0;
	s31 =	sadd.s32 $0x320, s31  }
.LBB2_5:
0xb4: {  	_ =	sfence.sel $0x180000  }
0xb5: {  	[bflag:$0x0] =	sbarrier.arrive $0xFFFF  }
0xb6: {  	_ =	strace $0x90000047  }
0xb7: {  	s0 =	stileid.u32;
	[bflag:$0x2] =	sbarrier.arrive $0xFFFF  }
0xb8: {  	p0 =	sne.s32 s0, $0x0;
	s0 =	rddreg [dreg:$0x3]  }
0xb9: {  	s0 =	sadd.s32 @!p0 $0x100000, s0  }
0xba: {  	[sflag:s0] =	ssyncadd.tile.s32 @!p0 $0x1;
	_ =	shalt  }
.Lfunc_end2:
_tile_overlayer_lowered:
.L_overlay_start_2:
0xbb: {  	(tag) =	ssettag $0x2  }
0xbc: {  	s0 =	rddreg [dreg:$0x0];
	s2 =	stileid.u32  }
0xbd: {  	s1 =	rddreg [dreg:$0x1];
	p0 =	sne.s32 s2, $0x0  }
0xbe: {  	s3 =	rddreg [dreg:$0x2];
	[bflag:$0x3] =	sbarrier.arrive $0xFFFF;
	s2 =	simm.s32 @!p0 $0x1C05  }
0xbf: {  	[timem:s3], [sflag:s2] =	dma.local @!p0 [hbm:s0], s1  }
0xc0: {  	s0 =	simm.s32 @!p0 $0x5  }
0xc1: {  	_ =	swait.ge @!p0 [sflag:s0], s1  }
0xc2: {  	s1 =	ssub.s32 @!p0 $0x0, s1;
	[sflag:s0] =	ssyncset.done @!p0 $0x0  }
0xc3: {  	[sflag:s0] =	ssyncadd.s32 @!p0 s1  }
0xc4: {  	[bflag:$0x3] =	sbarrier.arrive $0xFFFF  }
0xc5: {  	_ =	shalt  }

// kernel: sparse-core-data-format-call.cloned.1.call-start
scs
called_computation_lowered:
.L_overlay_start_0:
0x0: {  	s2 =	sld [smem:$0x3FD9]  }
0x1: {  	s3 =	sld [smem:$0x3FFE];
	_ =	sdelay $0x1  }
0x2: {  	s1 =	srdreg.scid  }
0x3: {  	s0 =	sand.u32 $0x1, s1  }
0x4: {  	s18 =	sshll.u32 s0, $0xA;
	s2 =	sadd.s32 s3, s2  }
0x5: {  	s2 =	sadd.s32 s2, s18  }
0x6: {  	[smem:$0x3FC6] =	sst s2  }
0x7: {  	_ = 	snop  }
0x8: {  	s2 =	sld [smem:$0x3FD0];
	(tm) =	ssettm $0x1  }
0x9: {  	s19 =	sld [smem:$0x3FFB];
	_ =	sdelay $0x3  }
0xa: {  	_ =	strace s19  }
0xb: {  	s3 =	sld [smem:$0x3FFC];
	_ =	sdelay $0x3  }
0xc: {  	_ =	strace s3  }
0xd: {  	s3 =	sld [smem:$0x3FFD];
	_ =	sdelay $0x3  }
0xe: {  	_ =	strace s3  }
0xf: {  	_ =	strace $0x8FFFFFFF  }
0x10: {  	s20 =	sld [smem:$0x3FDB];
	_ =	sdelay $0x1  }
0x11: {  	s4 =	simm.s32 $_scs_section_size  }
0x12: {  	s5 =	simm.s32 $_size__tile_overlayer_lowered;
	s6 =	simm.s32 $_tile_overlayer_lowered  }
0x13: {  	s23 =	simm.s32 $0x1BFF;
	s22 =	sshll.u32 s6, $0x1;
	s3 =	sadd.s32 s4, s20  }
0x14: {  	s7 =	simm.s32 $0x0;
	s21 =	sshll.u32 s5, $0x1;
	s5 =	sadd.s32 s22, s3  }
0x15: {  	[timem:s7], [sflag:s23] =	dma.local [hbm:s5], s21  }
0x16: {  	_ =	swait.ge [sflag:s23], s21  }
0x17: {  	s4 =	ssub.s32 $0x0, s21;
	[sflag:s23] =	ssyncset.done $0x0  }
0x18: {  	[sflag:s23] =	ssyncadd.s32 s4;
	_ =	sdelay $0x1  }
0x19: {  	s24 =	simm.s32 $0x1B8B  }
0x1a: {  	_ =	swait.ge [sflag:s24], $0x1  }
0x1b: {  	[sflag:s24] =	ssyncset.done $0x0  }
0x1c: {  	s26 =	simm.s32 $0x1B8E;
	s25 =	sld [smem:$0x3FFE];
	[sflag:s24] =	ssyncadd.s32 $0xFFFFFFFF  }
0x1d: {  	s27 =	simm.s32 $execute0_lowered;
	[smem:$0x3FD2] =	sst s26  }
0x1e: {  	s5 =	sshll.u32 s27, $0x1;
	_ =	strace $0x80000049;
	[dreg:$0x1] =	wrdreg $0xFFFFFFFF  }
0x1f: {  	s28 =	simm.s32 $_size_execute0_lowered;
	s3 =	sadd.s32 s3, s5;
	[dreg:$0x0] =	wrdreg $0x0  }
0x20: {  	s5 =	sshll.u32 s28, $0x1;
	[dreg:$0x2] =	wrdreg s3  }
0x21: {  	[dreg:$0x3] =	wrdreg s5  }
0x22: {  	[dreg:$0x4] =	wrdreg $0xC0  }
0x23: {  	_ =	task [dreg:s7], $0x5FFFF  }
0x24: {  	[dreg:$0x1] =	wrdreg $0xFFFFFFFF  }
0x25: {  	[dreg:$0x0] =	wrdreg $0x60  }
0x26: {  	[dreg:$0x2] =	wrdreg s25  }
0x27: {  	[dreg:$0x3] =	wrdreg s2  }
0x28: {  	[dreg:$0x4] =	wrdreg $0x9  }
0x29: {  	_ =	task.clear_ibuf [dreg:s7], $0x5FFFF;
	_ =	strace $0x90000049  }
0x2a: {  	s29 =	simm.s32 $0x9;
	_ =	strace $0x8000004B  }
0x2b: {  	_ =	swait.ge [sflag:s29], $0x1  }
0x2c: {  	[sflag:s29] =	ssyncadd.s32 $0xFFFFFFFF  }
0x2d: {  	_ =	strace $0x9000004B  }
0x2e: {  	_ =	sfence  }
0x2f: {  	s30 =	sld [smem:$0x0];
	_ =	sdelay $0x2  }
0x30: {  	s31 =	sshll.u32 s1, $0xD;
	s1 =	sshrl.u32 s1, $0x2  }
0x31: {  	s3 =	sand.u32 $0x4000, s31;
	s1 =	sadd.s32 s1, s30  }
0x32: {  	s0 =	sor.u32 s3, s0;
	s1 =	sshll.u32 s1, $0x11  }
0x33: {  	s0 =	sor.u32 s1, s0  }
0x34: {  	s0 =	sadd.s32 $0x8F2B, s0  }
0x35: {  	[sflag:s0] =	ssyncadd.remote.s32 $0x1  }
0x36: {  	_ =	sfence.sel $0xFFFF  }
0x37: {  	[dreg:$0x0] =	wrdreg $0xFFFFFFFF;
	(pc) =	sbr.abs _section_cstart, $3  }
0x38: {  	[dreg:$0x1] =	wrdreg $0xFFFFFFFF  }
0x39: {  	_ =	task.clear_ibuf [dreg:s7], $0x2FFFF;
	_ =	strace $0x9FFFFFFF  }
0x3a: {  	(tm) =	ssettm $0x7FFFFFFF  }
0x3b: {  	_ =	shalt  }
tec
execute0_lowered:
.L_overlay_start_1:
0x0: {  	(tag) =	ssettag $0x1  }
0x1: {  	s0 =	srdreg.scid  }
0x2: {  	s1 =	sshll.u32 s0, $0x4  }
0x3: {  	s0 =	stileid.u32;
	s1 =	sand.u32 $0x10, s1  }
0x4: {  	s1 =	sor.u32 s0, s1  }
0x5: {  	s6 =	rddreg [dreg:$0x0];
	s4 =	simm.s32 $0x1;
	s2 =	sshll.u32 s1, $0x7  }
0x6: {  	s7 =	simm.s32 $0x2;
	s12 =	simm.s32 $0x0;
	s1 =	ssub.s32 $0x4000, s2  }
0x7: {  	s8 =	simm.s32 $0x20000;
	s13 =	simm.s32 $0x0;
	s3 =	sand.u32 $0xF80, s1  }
0x8: {  	s9 =	simm.s32 $0x0;
	s5 =	sshrl.u32 s1, $0xC;
	p0 =	sne.s32 s3, $0x0  }
.Ltmp0:
0x9: {  	s1 =	rddreg [dreg:$0x2];
	s4 =	simm.s32 @!p0 $0x0;
	(pc) =	sbr.rel .LBB1_1-.Ltmp0, $4  }
0xa: {  	s11 =	simm.s32 $0x0;
	s3 =	rddreg [dreg:$0x1];
	s5 =	sadd.s32 s4, s5  }
0xb: {  	_ =	strace $0x8000004A;
	s4 =	simm.s32 $0x1;
	s5 =	smul.u32 $0x32, s5  }
0xc: {  	s6 =	sadd.s32 $0x800, s6;
	s10 =	smov.u32 s2;
	[sflag:s4] =	ssyncpa.u1 $0x0  }
0xd: {  	p0 =	por $0x0, $0x0;
	[sflag:s7] =	ssyncpa.u1 $0x0;
	s7 =	sor.u32 $0x1, s5  }
.LBB1_4:
0xe: {  	s16 =	sshll.u32 s13, $0x3;
	s17 =	sand.u32 $0x78, s13  }
0xf: {  	s30 =	sand.u32 $0x1F800, s13;
	s12 =	sshll.u32 s12, $0x11;
	s16 =	sand.u32 $0x3C00, s16  }
0x10: {  	[tilespmem:s15+$0x810 ss:$0x81] =	vst.msk $0xffff, v2;
	s31 =	sand.u32 $0x7, s13;
	s16 =	sor.u32 s17, s16;
	s17 =	sadd.s32 s3, s30  }
0x11: {  	[tilespmem:s15+$0x1020 ss:$0x81] =	vst.msk $0xffff, v0;
	s13 =	sshll.u32 s31, $0x12;
	s12 =	sadd.s32 s12, s17;
	s16 =	sshrl.u32 s16, $0x3  }
0x12: {  	[tilespmem:s15+$0x0 ss:$0x81] =	vst.msk $0xffff, v1;
	s13 =	sor.u32 $0x400, s13;
	s12 =	sadd.s32 s16, s12  }
0x13: {  	[hbm4b:s12+s13] =	stream.strided.scatter [tilespmem:s14], [sflag:$0x2], $0x2000, s8, s13, $0x20;
	[tilespmem:$0x8080] =	vst v63  }
.LBB1_5:
0x14: {  	s14 =	sadd.s32 $0x1, s9  }
0x15: {  	s12 =	sadd.s32 $0x1000, s10;
	s16 =	smov.u32 s10;
	p2 =	sgt.s32 s14, $0x31  }
0x16: {  	s16 =	smov.u32 @p2 s12  }
0x17: {  	s14 =	simm.s32 @p2 $0x0;
	p2 =	sgt.s32 s16, $0x3FFF  }
0x18: {  	s16 =	smov.u32 @p2 s2;
	p2 =	sne.s32 s11, s7  }
.Ltmp1:
0x19: {  	p1 =	slt.u32 s11, $0x2;
	(pc) =	sbr.rel @!p2 .LBB1_6-.Ltmp1, $4  }
0x1a: {  	s15 =	simm.s32 @!p1 $0x2  }
0x1b: {  	s13 =	smov.u32 s10;
	p0 =	por !p0, !p0;
	_ =	swait.ge @!p1 [sflag:s15], $0x2000  }
0x1c: {  	s12 =	smov.u32 s9;
	[sflag:s15] =	ssyncset.done @!p1 $0x0;
	s9 =	smov.u32 s14  }
0x1d: {  	s11 =	sadd.s32 $0x1, s11;
	[sflag:s15] =	ssyncadd.s32 @!p1 $0xFFFFE000;
	s10 =	smov.u32 s16  }
.LBB1_1:
0x1e: {  	p1 =	sge.u32 s11, s5  }
0x1f: {  	s14 =	sand.u32 @!p1 $0x1FFFFFF, s9  }
0x20: {  	s15 =	smulhi.u32 @!p1 $0x4924925, s14;
	_ =	sdelay $0x1  }
0x21: {  	s15 =	smul.u32 @!p1 $0x38, s15  }
0x22: {  	s16 =	sxor.u32 @!p1 $0xFFFFFFFF, s11;
	s17 =	smul.u32 @!p1 $0x380, s10  }
0x23: {  	s31 =	sadd.s32 $0xFFFFFFFF, s11;
	s16 =	sshll.u32 @!p1 s16, $0xD;
	s14 =	ssub.s32 @!p1 s14, s15  }
0x24: {  	s15 =	sand.u32 @!p1 $0x2000, s16;
	s16 =	sadd.s32 @!p1 s6, s17;
	s14 =	sshll.u32 @!p1 s14, $0x4  }
0x25: {  	s17 =	simm.s32 @!p1 $0x1C00;
	s14 =	sadd.s32 @!p1 s14, s16;
	s16 =	simm.s32 @!p1 $0x40  }
0x26: {  	[tilespmem:s15], [sflag:$0x1] =	stream.strided.gather @!p1 [hbm4b:s14+s16], $0x2000, s17, s16, $0x38;
	[tilespmem:$0x8080] =	vst v63  }
0x27: {  	p1 =	sge.u32 s31, s5  }
.Ltmp2:
0x28: {  	_ = 	snop;
	(pc) =	sbr.rel @p1 .LBB1_5-.Ltmp2, $1  }
0x29: {  	_ =	sdelay $0x3  }
0x2a: {  	s14 =	simm.s32 $0x1  }
0x2b: {  	_ =	swait.ge [sflag:s4], $0x2000;
	s14 =	simm.s32 @!p0 $0x0  }
0x2c: {  	[sflag:s4] =	ssyncset.done $0x0;
	s15 =	sshll.u32 s14, $0xD  }
0x2d: {  	[sflag:s4] =	ssyncadd.s32 $0xFFFFE000;
	s18 =	sor.u32 $0x20, s15  }
0x2e: {  	s14 =	smul.u32 $0x8100, s14;
	v3 =	vld [tilespmem:s18+$0x10]  }
0x2f: {  	s30 =	sand.u32 $0x1, s11;
	v2 =	vld [tilespmem:s18+$0xFFFFFFF0]  }
0x30: {  	s15 =	smul.u32 $0x8100, s30;
	s14 =	sshrl.u32 s14, $0x2;
	v0 =	vld [tilespmem:s18+$0x0]  }
0x31: {  	v1 =	vld [tilespmem:s18+$0xFFFFFFE0];
	s16 =	sor.u32 $0x4000, s14  }
0x32: {  	s31 =	sshrl.u32 s15, $0x2;
	s15 =	sadd.s32 $0x0, s16  }
0x33: {  	s17 =	simm.s32 $0x4;
	s18 =	sadd.s32 $0x40, s18;
	s14 =	sor.u32 $0x4000, s31;
	[tilespmem:s15+$0x1830 ss:$0x81] =	vst.msk $0xffff, v3  }
.LBB1_3:
0x34: {  	v3 =	vld [tilespmem:s18+$0x10];
	p1 =	sne.s32 s17, $0x1FC;
	[tilespmem:s15+$0x810 ss:$0x81] =	vst.msk $0xffff, v2;
	s19 =	smov.u32 s17;
	s17 =	sadd.s32 $0x4, s17  }
.Ltmp3:
0x35: {  	v2 =	vld [tilespmem:s18+$0xFFFFFFF0];
	[tilespmem:s15+$0x1020 ss:$0x81] =	vst.msk $0xffff, v0;
	(pc) =	sbr.rel @p1 .LBB1_3-.Ltmp3, $4  }
0x36: {  	v0 =	vld [tilespmem:s18+$0x0];
	[tilespmem:s15+$0x0 ss:$0x81] =	vst.msk $0xffff, v1  }
0x37: {  	s15 =	sshra.s32 s19, $0x2;
	v1 =	vld [tilespmem:s18+$0xFFFFFFE0]  }
0x38: {  	s15 =	sadd.s32 s15, s16  }
0x39: {  	s18 =	sadd.s32 $0x40, s18;
	[tilespmem:s15+$0x1830 ss:$0x81] =	vst.msk $0xffff, v3  }
.Ltmp4:
0x3a: {  	_ = 	snop;
	(pc) =	sbr.rel .LBB1_4-.Ltmp4, $1  }
0x3b: {  	_ =	sdelay $0x3  }
.LBB1_6:
0x3c: {  	_ =	sfence.sel $0x180000  }
0x3d: {  	s2 =	simm.s32 $0x1;
	[bflag:$0x0] =	sbarrier.arrive $0xFFFF  }
0x3e: {  	s31 =	simm.s32 $0x2;
	[sflag:s2] =	ssyncpa.u1 $0x1  }
0x3f: {  	[sflag:s31] =	ssyncpa.u1 $0x1  }
0x40: {  	p0 =	sne.s32 s0, $0x0;
	_ =	strace $0x9000004A  }
0x41: {  	s0 =	sadd.s32 @!p0 $0x100000, s1;
	[bflag:$0x2] =	sbarrier.arrive $0xFFFF  }
0x42: {  	[sflag:s0] =	ssyncadd.tile.s32 @!p0 $0x1;
	_ =	shalt  }
.Lfunc_end1:
_tile_overlayer_lowered:
.L_overlay_start_2:
0x43: {  	(tag) =	ssettag $0x2  }
0x44: {  	s0 =	rddreg [dreg:$0x0];
	s2 =	stileid.u32  }
0x45: {  	s1 =	rddreg [dreg:$0x1];
	p0 =	sne.s32 s2, $0x0  }
0x46: {  	s3 =	rddreg [dreg:$0x2];
	[bflag:$0x3] =	sbarrier.arrive $0xFFFF;
	s2 =	simm.s32 @!p0 $0x1C01  }
0x47: {  	[timem:s3], [sflag:s2] =	dma.local @!p0 [hbm:s0], s1  }
0x48: {  	s0 =	simm.s32 @!p0 $0x1  }
0x49: {  	_ =	swait.ge @!p0 [sflag:s0], s1  }
0x4a: {  	s1 =	ssub.s32 @!p0 $0x0, s1;
	[sflag:s0] =	ssyncset.done @!p0 $0x0  }
0x4b: {  	[sflag:s0] =	ssyncadd.s32 @!p0 s1  }
0x4c: {  	[bflag:$0x3] =	sbarrier.arrive $0xFFFF  }
0x4d: {  	_ =	shalt  }

</sc_bundles>
